<compile_context>
chip_gen: v7x
topology: tpu7x:2x2x1
jax: 0.10.2.dev20260603
libtpu: 0.0.44.dev20260713+nightly
codegen_flags: <defaults>
</compile_context>

<pallas_src>
import functools

import jax
import jax.numpy as jnp
from jax import lax
from jax.experimental import pallas as pl
from jax.experimental.pallas import tpu as pltpu
from jax.experimental.pallas import tpu_sc as plsc

G = 10000
GA = 10624
W = 128
BA = 2560
RB = 128
BE = 6400


def _elu(x):
    return jnp.where(x > 0, x, jnp.exp(jnp.minimum(x, 0.0)) - 1.0)


def _phase_abc_body(enca_ref, gi_ref, w0_ref, b0_ref, w1_ref, b1_ref,
                    w2_ref, b2_ref, gw0_ref, gb0_ref, gw1_ref, gb1_ref,
                    gw2_ref, gb2_ref, key1_ref, qjt_ref, means_ref,
                    acc, cnt):
    f32 = jnp.float32
    pid = pl.program_id(0)
    nb = pl.num_programs(0)

    @pl.when(pid == 0)
    def _():
        acc[...] = jnp.zeros(acc.shape, f32)
        cnt[...] = jnp.zeros(cnt.shape, f32)

    x = enca_ref[...]
    h = _elu(jnp.dot(x, w0_ref[...], preferred_element_type=f32)
             + b0_ref[...])
    h = _elu(jnp.dot(h, w1_ref[...], preferred_element_type=f32)
             + b1_ref[...])
    k1 = jnp.dot(h, w2_ref[...], preferred_element_type=f32) + b2_ref[...]
    key1_ref[...] = k1

    gi_row = gi_ref[0]
    gmin = jnp.min(gi_row)
    gmax = jnp.max(gi_row)
    onesb = jnp.ones((BA, 8), f32)

    def window(b_):
        b8 = pl.multiple_of(b_, 8)
        ids = b8 + lax.broadcasted_iota(jnp.int32, (W, 1), 0)
        oh = (ids == gi_row).astype(f32)
        part = jnp.dot(oh, k1, preferred_element_type=f32)
        pc = jnp.dot(oh, onesb, preferred_element_type=f32)
        acc[pl.ds(b8, W), :] = acc[pl.ds(b8, W), :] + part
        cnt[pl.ds(b8, W), :] = cnt[pl.ds(b8, W), :] + pc
        return b_ + W

    base0 = (gmin // 8) * 8
    window(base0)

    def cond(b_):
        return b_ <= gmax

    lax.while_loop(cond, window, base0 + W)

    @pl.when(pid == nb - 1)
    def _():
        sums = acc[0:G, :]
        c = cnt[0:G, 0:1]
        means = sums / jnp.maximum(c, 1.0)
        q = _elu(jnp.dot(means, gw0_ref[...], preferred_element_type=f32)
                 + gb0_ref[...])
        q = _elu(jnp.dot(q, gw1_ref[...], preferred_element_type=f32)
                 + gb1_ref[...])
        qjt_ref[...] = (jnp.dot(q, gw2_ref[...], preferred_element_type=f32)
                        + gb2_ref[...])
        means_ref[...] = means


def _phase_e_body(enc_ref, key1_ref, kbar_ref, pw0_ref, pb0_ref, pw1_ref,
                  pb1_ref, out_ref):
    d = enc_ref[...] + kbar_ref[...] - key1_ref[...]
    pre = (jnp.dot(d, pw0_ref[...], preferred_element_type=jnp.float32) + pb0_ref[...])
    out_ref[...] = (jnp.dot(_elu(pre), pw1_ref[...],
                            preferred_element_type=jnp.float32) + pb1_ref[...])


def kernel(flat_pair_enc, flat_pair_encA, group_index,
           phi1_W0, phi1_b0, phi1_W1, phi1_b1, phi1_W2, phi1_b2,
           g_W0, g_b0, g_W1, g_b1, g_W2, g_b2,
           phi2_W0, phi2_b0, phi2_W1, phi2_b1):
    N, DA = flat_pair_encA.shape
    H = phi1_W1.shape[0]
    D2 = 2 * H
    f32 = jnp.float32
    i32 = jnp.int32

    info = plsc.get_sparse_core_info()
    NC, NS = info.num_cores, info.num_subcores
    NW = NC * NS
    NBLK = N // RB
    T = -(-NBLK // NW)
    NB = N // BA

    b = lambda v: v.reshape(1, -1)
    gi3 = group_index.reshape(NB, 1, BA)

    key1, qjt, means = pl.pallas_call(
        _phase_abc_body,
        grid=(NB,),
        in_specs=[
            pl.BlockSpec((BA, DA), lambda i: (i, 0)),
            pl.BlockSpec((1, 1, BA), lambda i: (i, 0, 0)),
            pl.BlockSpec((DA, H), lambda i: (0, 0)),
            pl.BlockSpec((1, H), lambda i: (0, 0)),
            pl.BlockSpec((H, H), lambda i: (0, 0)),
            pl.BlockSpec((1, H), lambda i: (0, 0)),
            pl.BlockSpec((H, D2), lambda i: (0, 0)),
            pl.BlockSpec((1, D2), lambda i: (0, 0)),
            pl.BlockSpec((D2, H), lambda i: (0, 0)),
            pl.BlockSpec((1, H), lambda i: (0, 0)),
            pl.BlockSpec((H, H), lambda i: (0, 0)),
            pl.BlockSpec((1, H), lambda i: (0, 0)),
            pl.BlockSpec((H, 1), lambda i: (0, 0)),
            pl.BlockSpec((1, 1), lambda i: (0, 0)),
        ],
        out_specs=[
            pl.BlockSpec((BA, D2), lambda i: (i, 0)),
            pl.BlockSpec((G, 1), lambda i: (0, 0)),
            pl.BlockSpec((G, D2), lambda i: (0, 0)),
        ],
        out_shape=[
            jax.ShapeDtypeStruct((N, D2), f32),
            jax.ShapeDtypeStruct((G, 1), f32),
            jax.ShapeDtypeStruct((G, D2), f32),
        ],
        scratch_shapes=[
            pltpu.VMEM((GA, D2), f32),
            pltpu.VMEM((GA, 8), f32),
        ],
    )(flat_pair_encA, gi3, phi1_W0, b(phi1_b0), phi1_W1, b(phi1_b1),
      phi1_W2, b(phi1_b2), g_W0, b(g_b0), g_W1, b(g_b1), g_W2,
      g_b2.reshape(1, 1))

    mesh = plsc.VectorSubcoreMesh(core_axis_name="c", subcore_axis_name="s")

    SB = 2 * RB
    NSBH = (N // 2) // SB
    assert NSBH * SB == N // 2
    TSB = -(-NSBH // NW)

    def _make_gather(base):
        @functools.partial(
            pl.kernel, mesh=mesh,
            out_type=jax.ShapeDtypeStruct((N // 2, D2), f32),
            scratch_types=[
                pltpu.VMEM((SB,), i32),
                pltpu.VMEM((SB, D2), f32),
                pltpu.SemaphoreType.DMA,
            ],
        )
        def _sc_gather(tab_hbm, gi_hbm, out_hbm, idx_v, rows_v, sem):
            cid = lax.axis_index("c")
            sid = lax.axis_index("s")
            wid = sid * NC + cid

            def trip(t, cc):
                sb = t * NW + wid

                @pl.when(sb < NSBH)
                def _():
                    r0 = sb * SB
                    pltpu.sync_copy(gi_hbm.at[pl.ds(base + r0, SB)], idx_v)
                    cps = [
                        pltpu.async_copy(
                            tab_hbm.at[idx_v.at[pl.ds(k * RB, RB)]],
                            rows_v.at[pl.ds(k * RB, RB)], sem)
                        for k in range(SB // RB)
                    ]
                    for cp in cps:
                        cp.wait()
                    pltpu.sync_copy(rows_v, out_hbm.at[pl.ds(r0, SB)])
                return cc

            lax.fori_loop(0, TSB, trip, 0)

        return _sc_gather

    kbar0 = _make_gather(0)(means, group_index)
    kbar1 = _make_gather(N // 2)(means, group_index)

    NEH = (N // 2) // BE

    def _run_e(kbar_h, half):
        off = half * NEH
        return pl.pallas_call(
            _phase_e_body,
            grid=(NEH,),
            in_specs=[
                pl.BlockSpec((BE, D2), lambda i: (i + off, 0)),
                pl.BlockSpec((BE, D2), lambda i: (i + off, 0)),
                pl.BlockSpec((BE, D2), lambda i: (i, 0)),
                pl.BlockSpec((D2, H), lambda i: (0, 0)),
                pl.BlockSpec((1, H), lambda i: (0, 0)),
                pl.BlockSpec((H, 2), lambda i: (0, 0)),
                pl.BlockSpec((1, 2), lambda i: (0, 0)),
            ],
            out_specs=pl.BlockSpec((BE, 2), lambda i: (i, 0)),
            out_shape=jax.ShapeDtypeStruct((N // 2, 2), f32),
        )(flat_pair_enc, key1, kbar_h, phi2_W0, b(phi2_b0), phi2_W1,
          b(phi2_b1))

    altq0 = _run_e(kbar0, 0)
    altq1 = _run_e(kbar1, 1)
    altq = jnp.concatenate([altq0, altq1], axis=0)
    return (qjt, altq)

# --- scband reference (transcript-rebuilt; emitter-appended) ---
"""Pipeline reference for scband-qjoint-86105504350314 (READ-ONLY COPY).

The authoritative reference and input builder live on the scoring server;
editing this copy changes nothing except your own understanding.
"""

import jax, jax.numpy as jnp
import numpy as np

N = 320000
G = 10000
HID = 64

def _lin_params(key, fan_in, fan_out):
    k1, k2 = jax.random.split(key)
    W = (jax.random.normal(k1, (fan_in, fan_out)) * (1.0 / np.sqrt(fan_in))).astype(jnp.float32)
    b = jnp.zeros((fan_out,), dtype=jnp.float32)
    return W, b

def setup_inputs(seed: int = 0) -> dict:
    key = jax.random.key(seed)
    ks = jax.random.split(key, 12)
    inp = {}
    inp['flat_pair_enc'] = jax.random.normal(ks[0], (N, 2 * HID), dtype=jnp.float32)
    inp['flat_pair_encA'] = jax.random.normal(ks[1], (N, 2 * HID + 2), dtype=jnp.float32)
    inp['group_index'] = jnp.sort(jax.random.randint(ks[2], (N,), 0, G, dtype=jnp.int32))
    inp['phi1_W0'], inp['phi1_b0'] = _lin_params(ks[3], 2 * HID + 2, HID)
    inp['phi1_W1'], inp['phi1_b1'] = _lin_params(ks[4], HID, HID)
    inp['phi1_W2'], inp['phi1_b2'] = _lin_params(ks[5], HID, 2 * HID)
    inp['g_W0'], inp['g_b0'] = _lin_params(ks[6], 2 * HID, HID)
    inp['g_W1'], inp['g_b1'] = _lin_params(ks[7], HID, HID)
    inp['g_W2'], inp['g_b2'] = _lin_params(ks[8], HID, 1)
    inp['phi2_W0'], inp['phi2_b0'] = _lin_params(ks[9], 2 * HID, HID)
    inp['phi2_W1'], inp['phi2_b1'] = _lin_params(ks[10], HID, 2)
    return inp

def _forward(flat_pair_enc, flat_pair_encA, group_index, phi1_W0, phi1_b0, phi1_W1, phi1_b1, phi1_W2, phi1_b2, g_W0, g_b0, g_W1, g_b1, g_W2, g_b2, phi2_W0, phi2_b0, phi2_W1, phi2_b1):
    elu = jax.nn.elu
    # phi1 MLP (Dropout is identity in eval mode)
    h = elu(flat_pair_encA @ phi1_W0 + phi1_b0)
    h = elu(h @ phi1_W1 + phi1_b1)
    key1 = h @ phi1_W2 + phi1_b2
    # scatter_mean(key1, group_index)
    counts = jax.ops.segment_sum(jnp.ones((key1.shape[0],), dtype=key1.dtype), group_index, num_segments=G)
    denom = jnp.maximum(counts, 1.0)
    key1_mean = jax.ops.segment_sum(key1, group_index, num_segments=G) / denom[:, None]
    # g MLP on group means
    q = elu(key1_mean @ g_W0 + g_b0)
    q = elu(q @ g_W1 + g_b1)
    q_jt = (q @ g_W2 + g_b2).squeeze(-1)
    # scatter_mean(ones_like(key1), group_index) gathered back (faithful to original, equals 1 for nonempty groups)
    ones_mean = jax.ops.segment_sum(jnp.ones_like(key1), group_index, num_segments=G) / denom[:, None]
    k1_div_len_g = key1 / ones_mean[group_index]
    kbar1 = key1_mean[group_index]
    alt_val = flat_pair_enc + kbar1 - k1_div_len_g
    a = elu(alt_val @ phi2_W0 + phi2_b0)
    alt_q = a @ phi2_W1 + phi2_b1
    return (q_jt[:, None], alt_q)

def reference(flat_pair_enc, flat_pair_encA, group_index, phi1_W0, phi1_b0, phi1_W1, phi1_b1, phi1_W2, phi1_b2, g_W0, g_b0, g_W1, g_b1, g_W2, g_b2, phi2_W0, phi2_b0, phi2_W1, phi2_b1):
    return _forward(flat_pair_enc, flat_pair_encA, group_index, phi1_W0, phi1_b0, phi1_W1, phi1_b1, phi1_W2, phi1_b2, g_W0, g_b0, g_W1, g_b1, g_W2, g_b2, phi2_W0, phi2_b0, phi2_W1, phi2_b1)

if __name__ == "__main__":
    import jax
    _d = setup_inputs()
    print(jax.jit(kernel)(*tuple(_d.values())))

</pallas_src>

<mosaic_0001>
#map = affine_map<(d0, d1) -> (0, 0)>
#map1 = affine_map<(d0, d1) -> (0)>
module attributes {stable_mosaic.version = 14 : i64} {
  func.func @_sc_gather(%arg0: i32, %arg1: i32, %arg2: memref<10000x128xf32, #tpu.memory_space<hbm>>, %arg3: memref<320000xi32, #tpu.memory_space<hbm>>, %arg4: memref<160000x128xf32, #tpu.memory_space<hbm>>, %arg5: memref<256xi32, #tpu.memory_space<vmem>>, %arg6: memref<256x128xf32, #tpu.memory_space<vmem>>, %arg7: memref<!tpu.dma_semaphore, #tpu.memory_space<semaphore_mem>>) attributes {dimension_semantics = [#tpu.dimension_semantics<core_parallel>, #tpu.dimension_semantics<subcore_parallel>], iteration_bounds = array<i64: 2, 16>, scalar_prefetch = 0 : i64, scratch_operands = 3 : i64, tpu.core_type = #tpu.core_type<sc_vector_subcore>, window_params = [{transform_indices = #map}, {transform_indices = #map1}, {transform_indices = #map}]} {
    %mul3A = arith.constant 2 : i32
    %mul3A_0 = arith.muli %arg1, %mul3A : i32
    %add3A = arith.addi %mul3A_0, %arg0 : i32
    %scan3A = arith.constant 0 : i32
    %scan3A_1 = arith.constant 0 : i32
    %scan3A_2 = arith.constant 20 : i32
    %scan3A_3 = arith.addi %scan3A_1, %scan3A_2 : i32
    %scan3A_4 = arith.constant 1 : i32
    scf.for %scan3A_6 = %scan3A_1 to %scan3A_3 step %scan3A_4  : i32 {
      %mul3A_7 = arith.constant 32 : i32
      %mul3A_8 = arith.muli %scan3A_6, %mul3A_7 : i32
      %add3A_9 = arith.addi %mul3A_8, %add3A : i32
      %lt3A = arith.constant 625 : i32
      %lt3A_10 = arith.cmpi slt, %add3A_9, %lt3A : i32
      %convert_element_type3A = arith.extui %lt3A_10 : i1 to i32
      %cond3A = arith.constant 0 : i32
      %cond3A_11 = arith.cmpi ne, %convert_element_type3A, %cond3A : i32
      scf.if %cond3A_11 {
        %mul3A_12 = arith.constant 256 : i32
        %mul3A_13 = arith.muli %add3A_9, %mul3A_12 : i32
        %add3A_14 = arith.constant 160000 : i32
        %add3A_15 = arith.addi %add3A_14, %mul3A_13 : i32
        "tpu.region"() ({
          %run_scoped3A = tpu.sem_alloc : memref<!tpu.dma_semaphore, #tpu.memory_space<semaphore_mem>>
          %dma_start3A_46 = tpu.memref_slice %arg3[%add3A_15] : memref<320000xi32, #tpu.memory_space<hbm>> -> memref<256xi32, #tpu.memory_space<hbm>>
          %dma_start3A_47 = tpu.memref_slice %arg3[%add3A_15] : memref<320000xi32, #tpu.memory_space<hbm>> -> memref<256xi32, #tpu.memory_space<hbm>>
          tpu.enqueue_dma source(%dma_start3A_47 : memref<256xi32, #tpu.memory_space<hbm>>) target(%arg5 : memref<256xi32, #tpu.memory_space<vmem>>) target_semaphore(%run_scoped3A : memref<!tpu.dma_semaphore, #tpu.memory_space<semaphore_mem>>)
          %dma_wait3A_48 = tpu.memref_slice %arg3[%add3A_15] : memref<320000xi32, #tpu.memory_space<hbm>> -> memref<256xi32, #tpu.memory_space<hbm>>
          %dma_wait3A_49 = tpu.memref_slice %arg3[%add3A_15] : memref<320000xi32, #tpu.memory_space<hbm>> -> memref<256xi32, #tpu.memory_space<hbm>>
          tpu.wait_dma2 semaphore(%run_scoped3A : memref<!tpu.dma_semaphore, #tpu.memory_space<semaphore_mem>>) src(%dma_wait3A_49 : memref<256xi32, #tpu.memory_space<hbm>>) dst(%arg5 : memref<256xi32, #tpu.memory_space<vmem>>)
          tpu.yield
        }) : () -> ()
        %dma_start3A = arith.constant 0 : i32
        %dma_start3A_16 = arith.constant 0 : i32
        %dma_start3A_17 = tpu.memref_slice %arg6[%dma_start3A, %dma_start3A_16] : memref<256x128xf32, #tpu.memory_space<vmem>> -> memref<128x128xf32, #tpu.memory_space<vmem>>
        %dma_start3A_18 = arith.constant 0 : i32
        %dma_start3A_19 = tpu.memref_slice %arg5[%dma_start3A_18] : memref<256xi32, #tpu.memory_space<vmem>> -> memref<128xi32, #tpu.memory_space<vmem>>
        %dma_start3A_20 = arith.constant 0 : i32
        %dma_start3A_21 = arith.constant 0 : i32
        %dma_start3A_22 = tpu.memref_slice %arg2[%dma_start3A_20, %dma_start3A_21] : memref<10000x128xf32, #tpu.memory_space<hbm>> -> memref<10000x128xf32, #tpu.memory_space<hbm>>
        tpu.enqueue_indirect_dma source(%dma_start3A_22 : memref<10000x128xf32, #tpu.memory_space<hbm>>) target(%dma_start3A_17 : memref<128x128xf32, #tpu.memory_space<vmem>>) offsets(%dma_start3A_19 : memref<128xi32, #tpu.memory_space<vmem>>) semaphore(%arg7 : memref<!tpu.dma_semaphore, #tpu.memory_space<semaphore_mem>>)
        %dma_start3A_23 = arith.constant 128 : i32
        %dma_start3A_24 = arith.constant 0 : i32
        %dma_start3A_25 = tpu.memref_slice %arg6[%dma_start3A_23, %dma_start3A_24] : memref<256x128xf32, #tpu.memory_space<vmem>> -> memref<128x128xf32, #tpu.memory_space<vmem>>
        %dma_start3A_26 = arith.constant 128 : i32
        %dma_start3A_27 = tpu.memref_slice %arg5[%dma_start3A_26] : memref<256xi32, #tpu.memory_space<vmem>> -> memref<128xi32, #tpu.memory_space<vmem>>
        %dma_start3A_28 = arith.constant 0 : i32
        %dma_start3A_29 = arith.constant 0 : i32
        %dma_start3A_30 = tpu.memref_slice %arg2[%dma_start3A_28, %dma_start3A_29] : memref<10000x128xf32, #tpu.memory_space<hbm>> -> memref<10000x128xf32, #tpu.memory_space<hbm>>
        tpu.enqueue_indirect_dma source(%dma_start3A_30 : memref<10000x128xf32, #tpu.memory_space<hbm>>) target(%dma_start3A_25 : memref<128x128xf32, #tpu.memory_space<vmem>>) offsets(%dma_start3A_27 : memref<128xi32, #tpu.memory_space<vmem>>) semaphore(%arg7 : memref<!tpu.dma_semaphore, #tpu.memory_space<semaphore_mem>>)
        %dma_wait3A = arith.constant 0 : i32
        %dma_wait3A_31 = arith.constant 0 : i32
        %dma_wait3A_32 = tpu.memref_slice %arg6[%dma_wait3A, %dma_wait3A_31] : memref<256x128xf32, #tpu.memory_space<vmem>> -> memref<128x128xf32, #tpu.memory_space<vmem>>
        %dma_wait3A_33 = arith.constant 0 : i32
        %dma_wait3A_34 = tpu.memref_slice %arg5[%dma_wait3A_33] : memref<256xi32, #tpu.memory_space<vmem>> -> memref<128xi32, #tpu.memory_space<vmem>>
        %dma_wait3A_35 = arith.constant 0 : i32
        %dma_wait3A_36 = arith.constant 0 : i32
        %dma_wait3A_37 = tpu.memref_slice %arg2[%dma_wait3A_35, %dma_wait3A_36] : memref<10000x128xf32, #tpu.memory_space<hbm>> -> memref<10000x128xf32, #tpu.memory_space<hbm>>
        tpu.wait_indirect_dma semaphore(%arg7 : memref<!tpu.dma_semaphore, #tpu.memory_space<semaphore_mem>>) src(%dma_wait3A_37 : memref<10000x128xf32, #tpu.memory_space<hbm>>) dst(%dma_wait3A_32 : memref<128x128xf32, #tpu.memory_space<vmem>>)
        %dma_wait3A_38 = arith.constant 128 : i32
        %dma_wait3A_39 = arith.constant 0 : i32
        %dma_wait3A_40 = tpu.memref_slice %arg6[%dma_wait3A_38, %dma_wait3A_39] : memref<256x128xf32, #tpu.memory_space<vmem>> -> memref<128x128xf32, #tpu.memory_space<vmem>>
        %dma_wait3A_41 = arith.constant 128 : i32
        %dma_wait3A_42 = tpu.memref_slice %arg5[%dma_wait3A_41] : memref<256xi32, #tpu.memory_space<vmem>> -> memref<128xi32, #tpu.memory_space<vmem>>
        %dma_wait3A_43 = arith.constant 0 : i32
        %dma_wait3A_44 = arith.constant 0 : i32
        %dma_wait3A_45 = tpu.memref_slice %arg2[%dma_wait3A_43, %dma_wait3A_44] : memref<10000x128xf32, #tpu.memory_space<hbm>> -> memref<10000x128xf32, #tpu.memory_space<hbm>>
        tpu.wait_indirect_dma semaphore(%arg7 : memref<!tpu.dma_semaphore, #tpu.memory_space<semaphore_mem>>) src(%dma_wait3A_45 : memref<10000x128xf32, #tpu.memory_space<hbm>>) dst(%dma_wait3A_40 : memref<128x128xf32, #tpu.memory_space<vmem>>)
        "tpu.region"() ({
          %run_scoped3A = tpu.sem_alloc : memref<!tpu.dma_semaphore, #tpu.memory_space<semaphore_mem>>
          %dma_start3A_46 = arith.constant 0 : i32
          %dma_start3A_47 = tpu.memref_slice %arg4[%mul3A_13, %dma_start3A_46] : memref<160000x128xf32, #tpu.memory_space<hbm>> -> memref<256x128xf32, #tpu.memory_space<hbm>>
          %dma_start3A_48 = arith.constant 0 : i32
          %dma_start3A_49 = tpu.memref_slice %arg4[%mul3A_13, %dma_start3A_48] : memref<160000x128xf32, #tpu.memory_space<hbm>> -> memref<256x128xf32, #tpu.memory_space<hbm>>
          tpu.enqueue_dma source(%arg6 : memref<256x128xf32, #tpu.memory_space<vmem>>) target(%dma_start3A_49 : memref<256x128xf32, #tpu.memory_space<hbm>>) target_semaphore(%run_scoped3A : memref<!tpu.dma_semaphore, #tpu.memory_space<semaphore_mem>>)
          %dma_wait3A_50 = arith.constant 0 : i32
          %dma_wait3A_51 = tpu.memref_slice %arg4[%mul3A_13, %dma_wait3A_50] : memref<160000x128xf32, #tpu.memory_space<hbm>> -> memref<256x128xf32, #tpu.memory_space<hbm>>
          %dma_wait3A_52 = arith.constant 0 : i32
          %dma_wait3A_53 = tpu.memref_slice %arg4[%mul3A_13, %dma_wait3A_52] : memref<160000x128xf32, #tpu.memory_space<hbm>> -> memref<256x128xf32, #tpu.memory_space<hbm>>
          tpu.wait_dma2 semaphore(%run_scoped3A : memref<!tpu.dma_semaphore, #tpu.memory_space<semaphore_mem>>) src(%arg6 : memref<256x128xf32, #tpu.memory_space<vmem>>) dst(%dma_wait3A_53 : memref<256x128xf32, #tpu.memory_space<hbm>>)
          tpu.yield
        }) : () -> ()
      } else {
      }
    }
    %scan3A_5 = arith.constant 20 : i32
    return
  }
}

#map = affine_map<(d0, d1) -> (0, 0)>
#map1 = affine_map<(d0, d1) -> (0)>
module attributes {stable_mosaic.version = 14 : i64} {
  func.func @_sc_gather(%arg0: i32, %arg1: i32, %arg2: memref<10000x128xf32, #tpu.memory_space<hbm>>, %arg3: memref<320000xi32, #tpu.memory_space<hbm>>, %arg4: memref<160000x128xf32, #tpu.memory_space<hbm>>, %arg5: memref<256xi32, #tpu.memory_space<vmem>>, %arg6: memref<256x128xf32, #tpu.memory_space<vmem>>, %arg7: memref<!tpu.dma_semaphore, #tpu.memory_space<semaphore_mem>>) attributes {dimension_semantics = [#tpu.dimension_semantics<core_parallel>, #tpu.dimension_semantics<subcore_parallel>], iteration_bounds = array<i64: 2, 16>, scalar_prefetch = 0 : i64, scratch_operands = 3 : i64, tpu.core_type = #tpu.core_type<sc_vector_subcore>, window_params = [{transform_indices = #map}, {transform_indices = #map1}, {transform_indices = #map}]} {
    %mul3A = arith.constant 2 : i32
    %mul3A_0 = arith.muli %arg1, %mul3A : i32
    %add3A = arith.addi %mul3A_0, %arg0 : i32
    %scan3A = arith.constant 0 : i32
    %scan3A_1 = arith.constant 0 : i32
    %scan3A_2 = arith.constant 20 : i32
    %scan3A_3 = arith.addi %scan3A_1, %scan3A_2 : i32
    %scan3A_4 = arith.constant 1 : i32
    scf.for %scan3A_6 = %scan3A_1 to %scan3A_3 step %scan3A_4  : i32 {
      %mul3A_7 = arith.constant 32 : i32
      %mul3A_8 = arith.muli %scan3A_6, %mul3A_7 : i32
      %add3A_9 = arith.addi %mul3A_8, %add3A : i32
      %lt3A = arith.constant 625 : i32
      %lt3A_10 = arith.cmpi slt, %add3A_9, %lt3A : i32
      %convert_element_type3A = arith.extui %lt3A_10 : i1 to i32
      %cond3A = arith.constant 0 : i32
      %cond3A_11 = arith.cmpi ne, %convert_element_type3A, %cond3A : i32
      scf.if %cond3A_11 {
        %mul3A_12 = arith.constant 256 : i32
        %mul3A_13 = arith.muli %add3A_9, %mul3A_12 : i32
        %add3A_14 = arith.constant 0 : i32
        %add3A_15 = arith.addi %add3A_14, %mul3A_13 : i32
        "tpu.region"() ({
          %run_scoped3A = tpu.sem_alloc : memref<!tpu.dma_semaphore, #tpu.memory_space<semaphore_mem>>
          %dma_start3A_46 = tpu.memref_slice %arg3[%add3A_15] : memref<320000xi32, #tpu.memory_space<hbm>> -> memref<256xi32, #tpu.memory_space<hbm>>
          %dma_start3A_47 = tpu.memref_slice %arg3[%add3A_15] : memref<320000xi32, #tpu.memory_space<hbm>> -> memref<256xi32, #tpu.memory_space<hbm>>
          tpu.enqueue_dma source(%dma_start3A_47 : memref<256xi32, #tpu.memory_space<hbm>>) target(%arg5 : memref<256xi32, #tpu.memory_space<vmem>>) target_semaphore(%run_scoped3A : memref<!tpu.dma_semaphore, #tpu.memory_space<semaphore_mem>>)
          %dma_wait3A_48 = tpu.memref_slice %arg3[%add3A_15] : memref<320000xi32, #tpu.memory_space<hbm>> -> memref<256xi32, #tpu.memory_space<hbm>>
          %dma_wait3A_49 = tpu.memref_slice %arg3[%add3A_15] : memref<320000xi32, #tpu.memory_space<hbm>> -> memref<256xi32, #tpu.memory_space<hbm>>
          tpu.wait_dma2 semaphore(%run_scoped3A : memref<!tpu.dma_semaphore, #tpu.memory_space<semaphore_mem>>) src(%dma_wait3A_49 : memref<256xi32, #tpu.memory_space<hbm>>) dst(%arg5 : memref<256xi32, #tpu.memory_space<vmem>>)
          tpu.yield
        }) : () -> ()
        %dma_start3A = arith.constant 0 : i32
        %dma_start3A_16 = arith.constant 0 : i32
        %dma_start3A_17 = tpu.memref_slice %arg6[%dma_start3A, %dma_start3A_16] : memref<256x128xf32, #tpu.memory_space<vmem>> -> memref<128x128xf32, #tpu.memory_space<vmem>>
        %dma_start3A_18 = arith.constant 0 : i32
        %dma_start3A_19 = tpu.memref_slice %arg5[%dma_start3A_18] : memref<256xi32, #tpu.memory_space<vmem>> -> memref<128xi32, #tpu.memory_space<vmem>>
        %dma_start3A_20 = arith.constant 0 : i32
        %dma_start3A_21 = arith.constant 0 : i32
        %dma_start3A_22 = tpu.memref_slice %arg2[%dma_start3A_20, %dma_start3A_21] : memref<10000x128xf32, #tpu.memory_space<hbm>> -> memref<10000x128xf32, #tpu.memory_space<hbm>>
        tpu.enqueue_indirect_dma source(%dma_start3A_22 : memref<10000x128xf32, #tpu.memory_space<hbm>>) target(%dma_start3A_17 : memref<128x128xf32, #tpu.memory_space<vmem>>) offsets(%dma_start3A_19 : memref<128xi32, #tpu.memory_space<vmem>>) semaphore(%arg7 : memref<!tpu.dma_semaphore, #tpu.memory_space<semaphore_mem>>)
        %dma_start3A_23 = arith.constant 128 : i32
        %dma_start3A_24 = arith.constant 0 : i32
        %dma_start3A_25 = tpu.memref_slice %arg6[%dma_start3A_23, %dma_start3A_24] : memref<256x128xf32, #tpu.memory_space<vmem>> -> memref<128x128xf32, #tpu.memory_space<vmem>>
        %dma_start3A_26 = arith.constant 128 : i32
        %dma_start3A_27 = tpu.memref_slice %arg5[%dma_start3A_26] : memref<256xi32, #tpu.memory_space<vmem>> -> memref<128xi32, #tpu.memory_space<vmem>>
        %dma_start3A_28 = arith.constant 0 : i32
        %dma_start3A_29 = arith.constant 0 : i32
        %dma_start3A_30 = tpu.memref_slice %arg2[%dma_start3A_28, %dma_start3A_29] : memref<10000x128xf32, #tpu.memory_space<hbm>> -> memref<10000x128xf32, #tpu.memory_space<hbm>>
        tpu.enqueue_indirect_dma source(%dma_start3A_30 : memref<10000x128xf32, #tpu.memory_space<hbm>>) target(%dma_start3A_25 : memref<128x128xf32, #tpu.memory_space<vmem>>) offsets(%dma_start3A_27 : memref<128xi32, #tpu.memory_space<vmem>>) semaphore(%arg7 : memref<!tpu.dma_semaphore, #tpu.memory_space<semaphore_mem>>)
        %dma_wait3A = arith.constant 0 : i32
        %dma_wait3A_31 = arith.constant 0 : i32
        %dma_wait3A_32 = tpu.memref_slice %arg6[%dma_wait3A, %dma_wait3A_31] : memref<256x128xf32, #tpu.memory_space<vmem>> -> memref<128x128xf32, #tpu.memory_space<vmem>>
        %dma_wait3A_33 = arith.constant 0 : i32
        %dma_wait3A_34 = tpu.memref_slice %arg5[%dma_wait3A_33] : memref<256xi32, #tpu.memory_space<vmem>> -> memref<128xi32, #tpu.memory_space<vmem>>
        %dma_wait3A_35 = arith.constant 0 : i32
        %dma_wait3A_36 = arith.constant 0 : i32
        %dma_wait3A_37 = tpu.memref_slice %arg2[%dma_wait3A_35, %dma_wait3A_36] : memref<10000x128xf32, #tpu.memory_space<hbm>> -> memref<10000x128xf32, #tpu.memory_space<hbm>>
        tpu.wait_indirect_dma semaphore(%arg7 : memref<!tpu.dma_semaphore, #tpu.memory_space<semaphore_mem>>) src(%dma_wait3A_37 : memref<10000x128xf32, #tpu.memory_space<hbm>>) dst(%dma_wait3A_32 : memref<128x128xf32, #tpu.memory_space<vmem>>)
        %dma_wait3A_38 = arith.constant 128 : i32
        %dma_wait3A_39 = arith.constant 0 : i32
        %dma_wait3A_40 = tpu.memref_slice %arg6[%dma_wait3A_38, %dma_wait3A_39] : memref<256x128xf32, #tpu.memory_space<vmem>> -> memref<128x128xf32, #tpu.memory_space<vmem>>
        %dma_wait3A_41 = arith.constant 128 : i32
        %dma_wait3A_42 = tpu.memref_slice %arg5[%dma_wait3A_41] : memref<256xi32, #tpu.memory_space<vmem>> -> memref<128xi32, #tpu.memory_space<vmem>>
        %dma_wait3A_43 = arith.constant 0 : i32
        %dma_wait3A_44 = arith.constant 0 : i32
        %dma_wait3A_45 = tpu.memref_slice %arg2[%dma_wait3A_43, %dma_wait3A_44] : memref<10000x128xf32, #tpu.memory_space<hbm>> -> memref<10000x128xf32, #tpu.memory_space<hbm>>
        tpu.wait_indirect_dma semaphore(%arg7 : memref<!tpu.dma_semaphore, #tpu.memory_space<semaphore_mem>>) src(%dma_wait3A_45 : memref<10000x128xf32, #tpu.memory_space<hbm>>) dst(%dma_wait3A_40 : memref<128x128xf32, #tpu.memory_space<vmem>>)
        "tpu.region"() ({
          %run_scoped3A = tpu.sem_alloc : memref<!tpu.dma_semaphore, #tpu.memory_space<semaphore_mem>>
          %dma_start3A_46 = arith.constant 0 : i32
          %dma_start3A_47 = tpu.memref_slice %arg4[%mul3A_13, %dma_start3A_46] : memref<160000x128xf32, #tpu.memory_space<hbm>> -> memref<256x128xf32, #tpu.memory_space<hbm>>
          %dma_start3A_48 = arith.constant 0 : i32
          %dma_start3A_49 = tpu.memref_slice %arg4[%mul3A_13, %dma_start3A_48] : memref<160000x128xf32, #tpu.memory_space<hbm>> -> memref<256x128xf32, #tpu.memory_space<hbm>>
          tpu.enqueue_dma source(%arg6 : memref<256x128xf32, #tpu.memory_space<vmem>>) target(%dma_start3A_49 : memref<256x128xf32, #tpu.memory_space<hbm>>) target_semaphore(%run_scoped3A : memref<!tpu.dma_semaphore, #tpu.memory_space<semaphore_mem>>)
          %dma_wait3A_50 = arith.constant 0 : i32
          %dma_wait3A_51 = tpu.memref_slice %arg4[%mul3A_13, %dma_wait3A_50] : memref<160000x128xf32, #tpu.memory_space<hbm>> -> memref<256x128xf32, #tpu.memory_space<hbm>>
          %dma_wait3A_52 = arith.constant 0 : i32
          %dma_wait3A_53 = tpu.memref_slice %arg4[%mul3A_13, %dma_wait3A_52] : memref<160000x128xf32, #tpu.memory_space<hbm>> -> memref<256x128xf32, #tpu.memory_space<hbm>>
          tpu.wait_dma2 semaphore(%run_scoped3A : memref<!tpu.dma_semaphore, #tpu.memory_space<semaphore_mem>>) src(%arg6 : memref<256x128xf32, #tpu.memory_space<vmem>>) dst(%dma_wait3A_53 : memref<256x128xf32, #tpu.memory_space<hbm>>)
          tpu.yield
        }) : () -> ()
      } else {
      }
    }
    %scan3A_5 = arith.constant 20 : i32
    return
  }
}

module attributes {stable_mosaic.version = 14 : i64} {
  func.func @_phase_abc_body(%arg0: i32, %arg1: memref<2560x130xf32, #tpu.memory_space<vmem>>, %arg2: memref<1x1x2560xi32, #tpu.memory_space<vmem>>, %arg3: memref<130x64xf32, #tpu.memory_space<vmem>>, %arg4: memref<1x64xf32, #tpu.memory_space<vmem>>, %arg5: memref<64x64xf32, #tpu.memory_space<vmem>>, %arg6: memref<1x64xf32, #tpu.memory_space<vmem>>, %arg7: memref<64x128xf32, #tpu.memory_space<vmem>>, %arg8: memref<1x128xf32, #tpu.memory_space<vmem>>, %arg9: memref<128x64xf32, #tpu.memory_space<vmem>>, %arg10: memref<1x64xf32, #tpu.memory_space<vmem>>, %arg11: memref<64x64xf32, #tpu.memory_space<vmem>>, %arg12: memref<1x64xf32, #tpu.memory_space<vmem>>, %arg13: memref<64x1xf32, #tpu.memory_space<vmem>>, %arg14: memref<1x1xf32, #tpu.memory_space<vmem>>, %arg15: memref<2560x128xf32, #tpu.memory_space<vmem>>, %arg16: memref<10000x1xf32, #tpu.memory_space<vmem>>, %arg17: memref<10000x128xf32, #tpu.memory_space<vmem>>, %arg18: memref<10624x128xf32, #tpu.memory_space<vmem>>, %arg19: memref<10624x8xf32, #tpu.memory_space<vmem>>) attributes {dimension_semantics = [#tpu.dimension_semantics<arbitrary>], iteration_bounds = array<i64: 125>, scalar_prefetch = 0 : i64, scratch_operands = 2 : i64, tpu.core_type = #tpu.core_type<tc>, window_params = [{transform_indices = @transform_0, window_bounds = array<i64: 2560, 130>}, {transform_indices = @transform_1, window_bounds = array<i64: 1, 1, 2560>}, {pipeline_mode = #tpu.pipeline_mode<synchronous>, transform_indices = @transform_2, window_bounds = array<i64: 130, 64>}, {pipeline_mode = #tpu.pipeline_mode<synchronous>, transform_indices = @transform_3, window_bounds = array<i64: 1, 64>}, {pipeline_mode = #tpu.pipeline_mode<synchronous>, transform_indices = @transform_4, window_bounds = array<i64: 64, 64>}, {pipeline_mode = #tpu.pipeline_mode<synchronous>, transform_indices = @transform_5, window_bounds = array<i64: 1, 64>}, {pipeline_mode = #tpu.pipeline_mode<synchronous>, transform_indices = @transform_6, window_bounds = array<i64: 64, 128>}, {pipeline_mode = #tpu.pipeline_mode<synchronous>, transform_indices = @transform_7, window_bounds = array<i64: 1, 128>}, {pipeline_mode = #tpu.pipeline_mode<synchronous>, transform_indices = @transform_8, window_bounds = array<i64: 128, 64>}, {pipeline_mode = #tpu.pipeline_mode<synchronous>, transform_indices = @transform_9, window_bounds = array<i64: 1, 64>}, {pipeline_mode = #tpu.pipeline_mode<synchronous>, transform_indices = @transform_10, window_bounds = array<i64: 64, 64>}, {pipeline_mode = #tpu.pipeline_mode<synchronous>, transform_indices = @transform_11, window_bounds = array<i64: 1, 64>}, {pipeline_mode = #tpu.pipeline_mode<synchronous>, transform_indices = @transform_12, window_bounds = array<i64: 64, 1>}, {pipeline_mode = #tpu.pipeline_mode<synchronous>, transform_indices = @transform_13, window_bounds = array<i64: 1, 1>}, {transform_indices = @transform_14, window_bounds = array<i64: 2560, 128>}, {pipeline_mode = #tpu.pipeline_mode<synchronous>, transform_indices = @transform_15, window_bounds = array<i64: 10000, 1>}, {pipeline_mode = #tpu.pipeline_mode<synchronous>, transform_indices = @transform_16, window_bounds = array<i64: 10000, 128>}]} {
    %eq3A = arith.constant 0 : i32
    %eq3A_0 = arith.cmpi eq, %arg0, %eq3A : i32
    %convert_element_type3A = arith.extui %eq3A_0 : i1 to i32
    %cond3A = arith.constant 0 : i32
    %cond3A_1 = arith.cmpi ne, %convert_element_type3A, %cond3A : i32
    scf.if %cond3A_1 {
      %broadcast_in_dim3A_116 = arith.constant 0.000000e+00 : f32
      %broadcast_in_dim3A_117 = vector.broadcast %broadcast_in_dim3A_116 : f32 to vector<10624x128xf32>
      %swap3A_118 = arith.constant 0 : index
      %swap3A_119 = arith.constant 0 : index
      %swap3A_120 = vector.load %arg18[%swap3A_118, %swap3A_119] : memref<10624x128xf32, #tpu.memory_space<vmem>>, vector<10624x128xf32>
      tpu.vector_store %arg18[%swap3A_118, %swap3A_119], %broadcast_in_dim3A_117 {strides = array<i32>} : memref<10624x128xf32, #tpu.memory_space<vmem>>, vector<10624x128xf32>,
      %broadcast_in_dim3A_121 = arith.constant 0.000000e+00 : f32
      %broadcast_in_dim3A_122 = vector.broadcast %broadcast_in_dim3A_121 : f32 to vector<10624x8xf32>
      %swap3A_123 = arith.constant 0 : index
      %swap3A_124 = arith.constant 0 : index
      %swap3A_125 = vector.load %arg19[%swap3A_123, %swap3A_124] : memref<10624x8xf32, #tpu.memory_space<vmem>>, vector<10624x8xf32>
      tpu.vector_store %arg19[%swap3A_123, %swap3A_124], %broadcast_in_dim3A_122 {strides = array<i32>} : memref<10624x8xf32, #tpu.memory_space<vmem>>, vector<10624x8xf32>,
    } else {
    }
    %get3A = arith.constant 0 : index
    %get3A_2 = arith.constant 0 : index
    %get3A_3 = vector.load %arg1[%get3A, %get3A_2] : memref<2560x130xf32, #tpu.memory_space<vmem>>, vector<2560x130xf32>
    %get3A_4 = arith.constant 0 : index
    %get3A_5 = arith.constant 0 : index
    %get3A_6 = vector.load %arg3[%get3A_4, %get3A_5] : memref<130x64xf32, #tpu.memory_space<vmem>>, vector<130x64xf32>
    %dot_general3A = arith.constant dense<0.000000e+00> : vector<2560x64xf32>
    %dot_general3A_7 = tpu.matmul %get3A_3, %get3A_6, %dot_general3A {dimension_numbers = #tpu.dot_dimension_numbers<[1], [0], [0], [1], [0, 0, 1, 1], [], []>, transpose_lhs_hint = false} : vector<2560x130xf32>, vector<130x64xf32>, vector<2560x64xf32> -> vector<2560x64xf32>
    %get3A_8 = arith.constant 0 : index
    %get3A_9 = arith.constant 0 : index
    %get3A_10 = vector.load %arg4[%get3A_8, %get3A_9] : memref<1x64xf32, #tpu.memory_space<vmem>>, vector<1x64xf32>
    %add3A = vector.broadcast %get3A_10 : vector<1x64xf32> to vector<2560x64xf32>
    %add3A_11 = arith.addf %dot_general3A_7, %add3A : vector<2560x64xf32>
    %gt3A = arith.constant 0.000000e+00 : f32
    %gt3A_12 = vector.broadcast %gt3A : f32 to vector<2560x64xf32>
    %gt3A_13 = arith.cmpf ogt, %add3A_11, %gt3A_12 : vector<2560x64xf32>
    %min3A = arith.constant 0.000000e+00 : f32
    %min3A_14 = vector.broadcast %min3A : f32 to vector<2560x64xf32>
    %min3A_15 = arith.minimumf %add3A_11, %min3A_14 : vector<2560x64xf32>
    %exp3A = math.exp %min3A_15 : vector<2560x64xf32>
    %sub3A = arith.constant 1.000000e+00 : f32
    %sub3A_16 = vector.broadcast %sub3A : f32 to vector<2560x64xf32>
    %sub3A_17 = arith.subf %exp3A, %sub3A_16 : vector<2560x64xf32>
    %select_n3A = arith.select %gt3A_13, %add3A_11, %sub3A_17 : vector<2560x64xi1>, vector<2560x64xf32>
    %get3A_18 = arith.constant 0 : index
    %get3A_19 = arith.constant 0 : index
    %get3A_20 = vector.load %arg5[%get3A_18, %get3A_19] : memref<64x64xf32, #tpu.memory_space<vmem>>, vector<64x64xf32>
    %dot_general3A_21 = arith.constant dense<0.000000e+00> : vector<2560x64xf32>
    %dot_general3A_22 = tpu.matmul %select_n3A, %get3A_20, %dot_general3A_21 {dimension_numbers = #tpu.dot_dimension_numbers<[1], [0], [0], [1], [0, 0, 1, 1], [], []>, transpose_lhs_hint = false} : vector<2560x64xf32>, vector<64x64xf32>, vector<2560x64xf32> -> vector<2560x64xf32>
    %get3A_23 = arith.constant 0 : index
    %get3A_24 = arith.constant 0 : index
    %get3A_25 = vector.load %arg6[%get3A_23, %get3A_24] : memref<1x64xf32, #tpu.memory_space<vmem>>, vector<1x64xf32>
    %add3A_26 = vector.broadcast %get3A_25 : vector<1x64xf32> to vector<2560x64xf32>
    %add3A_27 = arith.addf %dot_general3A_22, %add3A_26 : vector<2560x64xf32>
    %gt3A_28 = arith.constant 0.000000e+00 : f32
    %gt3A_29 = vector.broadcast %gt3A_28 : f32 to vector<2560x64xf32>
    %gt3A_30 = arith.cmpf ogt, %add3A_27, %gt3A_29 : vector<2560x64xf32>
    %min3A_31 = arith.constant 0.000000e+00 : f32
    %min3A_32 = vector.broadcast %min3A_31 : f32 to vector<2560x64xf32>
    %min3A_33 = arith.minimumf %add3A_27, %min3A_32 : vector<2560x64xf32>
    %exp3A_34 = math.exp %min3A_33 : vector<2560x64xf32>
    %sub3A_35 = arith.constant 1.000000e+00 : f32
    %sub3A_36 = vector.broadcast %sub3A_35 : f32 to vector<2560x64xf32>
    %sub3A_37 = arith.subf %exp3A_34, %sub3A_36 : vector<2560x64xf32>
    %select_n3A_38 = arith.select %gt3A_30, %add3A_27, %sub3A_37 : vector<2560x64xi1>, vector<2560x64xf32>
    %get3A_39 = arith.constant 0 : index
    %get3A_40 = arith.constant 0 : index
    %get3A_41 = vector.load %arg7[%get3A_39, %get3A_40] : memref<64x128xf32, #tpu.memory_space<vmem>>, vector<64x128xf32>
    %dot_general3A_42 = arith.constant dense<0.000000e+00> : vector<2560x128xf32>
    %dot_general3A_43 = tpu.matmul %select_n3A_38, %get3A_41, %dot_general3A_42 {dimension_numbers = #tpu.dot_dimension_numbers<[1], [0], [0], [1], [0, 0, 1, 1], [], []>, transpose_lhs_hint = false} : vector<2560x64xf32>, vector<64x128xf32>, vector<2560x128xf32> -> vector<2560x128xf32>
    %get3A_44 = arith.constant 0 : index
    %get3A_45 = arith.constant 0 : index
    %get3A_46 = vector.load %arg8[%get3A_44, %get3A_45] : memref<1x128xf32, #tpu.memory_space<vmem>>, vector<1x128xf32>
    %add3A_47 = vector.broadcast %get3A_46 : vector<1x128xf32> to vector<2560x128xf32>
    %add3A_48 = arith.addf %dot_general3A_43, %add3A_47 : vector<2560x128xf32>
    %swap3A = arith.constant 0 : index
    %swap3A_49 = arith.constant 0 : index
    %swap3A_50 = vector.load %arg15[%swap3A, %swap3A_49] : memref<2560x128xf32, #tpu.memory_space<vmem>>, vector<2560x128xf32>
    tpu.vector_store %arg15[%swap3A, %swap3A_49], %add3A_48 {strides = array<i32>} : memref<2560x128xf32, #tpu.memory_space<vmem>>, vector<2560x128xf32>,
    %get3A_51 = arith.constant 0 : index
    %get3A_52 = arith.constant 0 : index
    %get3A_53 = arith.constant 0 : index
    %get3A_54 = vector.load %arg2[%get3A_51, %get3A_52, %get3A_53] : memref<1x1x2560xi32, #tpu.memory_space<vmem>>, vector<1x1x2560xi32>
    %get3A_55 = vector.shape_cast %get3A_54 : vector<1x1x2560xi32> to vector<1x2560xi32>
    %reduce_min3A = vector.shape_cast %get3A_55 : vector<1x2560xi32> to vector<1x1x2560xi32>
    %reduce_min3A_56 = arith.constant dense<2147483647> : vector<1xi32>
    %reduce_min3A_57 = vector.multi_reduction <minsi>, %reduce_min3A, %reduce_min3A_56 [1, 2] : vector<1x1x2560xi32> to vector<1xi32>
    %reduce_min3A_58 = vector.shape_cast %reduce_min3A_57 : vector<1xi32> to vector<1x1x1xi32>
    %reduce_min3A_59 = vector.extract %reduce_min3A_58[0, 0, 0] : i32 from vector<1x1x1xi32>
    %reduce_max3A = vector.shape_cast %get3A_55 : vector<1x2560xi32> to vector<1x1x2560xi32>
    %reduce_max3A_60 = arith.constant dense<-2147483648> : vector<1xi32>
    %reduce_max3A_61 = vector.multi_reduction <maxsi>, %reduce_max3A, %reduce_max3A_60 [1, 2] : vector<1x1x2560xi32> to vector<1xi32>
    %reduce_max3A_62 = vector.shape_cast %reduce_max3A_61 : vector<1xi32> to vector<1x1x1xi32>
    %reduce_max3A_63 = vector.extract %reduce_max3A_62[0, 0, 0] : i32 from vector<1x1x1xi32>
    %broadcast_in_dim3A = arith.constant 1.000000e+00 : f32
    %broadcast_in_dim3A_64 = vector.broadcast %broadcast_in_dim3A : f32 to vector<2560x8xf32>
    %jit3A = arith.constant 8 : i32
    %div3A = arith.divsi %reduce_min3A_59, %jit3A : i32
    %sign3A = arith.constant 0 : i32
    %sign3A_65 = arith.cmpi sgt, %reduce_min3A_59, %sign3A : i32
    %sign3A_66 = arith.extui %sign3A_65 : i1 to i32
    %sign3A_67 = arith.constant 0 : i32
    %sign3A_68 = arith.cmpi slt, %reduce_min3A_59, %sign3A_67 : i32
    %sign3A_69 = arith.extui %sign3A_68 : i1 to i32
    %sign3A_70 = arith.subi %sign3A_66, %sign3A_69 : i32
    %sign3A_71 = arith.constant 0 : i32
    %sign3A_72 = arith.cmpi sgt, %jit3A, %sign3A_71 : i32
    %sign3A_73 = arith.extui %sign3A_72 : i1 to i32
    %sign3A_74 = arith.constant 0 : i32
    %sign3A_75 = arith.cmpi slt, %jit3A, %sign3A_74 : i32
    %sign3A_76 = arith.extui %sign3A_75 : i1 to i32
    %sign3A_77 = arith.subi %sign3A_73, %sign3A_76 : i32
    %ne3A = arith.cmpi ne, %sign3A_70, %sign3A_77 : i32
    %rem3A = arith.remsi %reduce_min3A_59, %jit3A : i32
    %ne3A_78 = arith.constant 0 : i32
    %ne3A_79 = arith.cmpi ne, %rem3A, %ne3A_78 : i32
    %and3A = arith.andi %ne3A, %ne3A_79 : i1
    %sub3A_80 = arith.constant 1 : i32
    %sub3A_81 = arith.subi %div3A, %sub3A_80 : i32
    %select_n3A_82 = arith.select %and3A, %sub3A_81, %div3A : i32
    %mul3A = arith.constant 8 : i32
    %mul3A_83 = arith.muli %select_n3A_82, %mul3A : i32
    %multiple_of3A = tpu.assume_multiple %mul3A_83, 8 : i32
    %iota3A = tpu.iota {dimensions = array<i32: 0>} : vector<128x1xi32>
    %add3A_84 = vector.broadcast %multiple_of3A : i32 to vector<128x1xi32>
    %add3A_85 = arith.addi %add3A_84, %iota3A : vector<128x1xi32>
    %eq3A_86 = vector.broadcast %add3A_85 : vector<128x1xi32> to vector<128x2560xi32>
    %eq3A_87 = vector.broadcast %get3A_55 : vector<1x2560xi32> to vector<128x2560xi32>
    %eq3A_88 = arith.cmpi eq, %eq3A_86, %eq3A_87 : vector<128x2560xi32>
    %convert_element_type3A_89 = arith.extui %eq3A_88 : vector<128x2560xi1> to vector<128x2560xi32>
    %convert_element_type3A_90 = arith.sitofp %convert_element_type3A_89 : vector<128x2560xi32> to vector<128x2560xf32>
    %dot_general3A_91 = arith.constant dense<0.000000e+00> : vector<128x128xf32>
    %dot_general3A_92 = tpu.matmul %convert_element_type3A_90, %add3A_48, %dot_general3A_91 {dimension_numbers = #tpu.dot_dimension_numbers<[1], [0], [0], [1], [0, 0, 1, 1], [], []>, transpose_lhs_hint = false} : vector<128x2560xf32>, vector<2560x128xf32>, vector<128x128xf32> -> vector<128x128xf32>
    %dot_general3A_93 = arith.constant dense<0.000000e+00> : vector<128x8xf32>
    %dot_general3A_94 = tpu.matmul %convert_element_type3A_90, %broadcast_in_dim3A_64, %dot_general3A_93 {dimension_numbers = #tpu.dot_dimension_numbers<[1], [0], [0], [1], [0, 0, 1, 1], [], []>, transpose_lhs_hint = false} : vector<128x2560xf32>, vector<2560x8xf32>, vector<128x8xf32> -> vector<128x8xf32>
    %get3A_95 = arith.index_cast %multiple_of3A : i32 to index
    %get3A_96 = arith.constant 0 : index
    %get3A_97 = vector.load %arg18[%get3A_95, %get3A_96] : memref<10624x128xf32, #tpu.memory_space<vmem>>, vector<128x128xf32>
    %add3A_98 = arith.addf %get3A_97, %dot_general3A_92 : vector<128x128xf32>
    %swap3A_99 = arith.index_cast %multiple_of3A : i32 to index
    %swap3A_100 = arith.constant 0 : index
    %swap3A_101 = vector.load %arg18[%swap3A_99, %swap3A_100] : memref<10624x128xf32, #tpu.memory_space<vmem>>, vector<128x128xf32>
    tpu.vector_store %arg18[%swap3A_99, %swap3A_100], %add3A_98 {strides = array<i32>} : memref<10624x128xf32, #tpu.memory_space<vmem>>, vector<128x128xf32>,
    %get3A_102 = arith.index_cast %multiple_of3A : i32 to index
    %get3A_103 = arith.constant 0 : index
    %get3A_104 = vector.load %arg19[%get3A_102, %get3A_103] : memref<10624x8xf32, #tpu.memory_space<vmem>>, vector<128x8xf32>
    %add3A_105 = arith.addf %get3A_104, %dot_general3A_94 : vector<128x8xf32>
    %swap3A_106 = arith.index_cast %multiple_of3A : i32 to index
    %swap3A_107 = arith.constant 0 : index
    %swap3A_108 = vector.load %arg19[%swap3A_106, %swap3A_107] : memref<10624x8xf32, #tpu.memory_space<vmem>>, vector<128x8xf32>
    tpu.vector_store %arg19[%swap3A_106, %swap3A_107], %add3A_105 {strides = array<i32>} : memref<10624x8xf32, #tpu.memory_space<vmem>>, vector<128x8xf32>,
    %add3A_109 = arith.constant 128 : i32
    %add3A_110 = arith.addi %mul3A_83, %add3A_109 : i32
    %while3A = scf.while (%while3A_116 = %add3A_110) : (i32) -> i32 {
      %le3A = arith.cmpi sle, %while3A_116, %reduce_max3A_63 : i32
      scf.condition(%le3A) %while3A_116 : i32
    } do {
    ^bb0(%while3A_116: i32):
      %multiple_of3A_117 = tpu.assume_multiple %while3A_116, 8 : i32
      %iota3A_118 = tpu.iota {dimensions = array<i32: 0>} : vector<128x1xi32>
      %add3A_119 = vector.broadcast %multiple_of3A_117 : i32 to vector<128x1xi32>
      %add3A_120 = arith.addi %add3A_119, %iota3A_118 : vector<128x1xi32>
      %eq3A_121 = vector.broadcast %add3A_120 : vector<128x1xi32> to vector<128x2560xi32>
      %eq3A_122 = vector.broadcast %get3A_55 : vector<1x2560xi32> to vector<128x2560xi32>
      %eq3A_123 = arith.cmpi eq, %eq3A_121, %eq3A_122 : vector<128x2560xi32>
      %convert_element_type3A_124 = arith.extui %eq3A_123 : vector<128x2560xi1> to vector<128x2560xi32>
      %convert_element_type3A_125 = arith.sitofp %convert_element_type3A_124 : vector<128x2560xi32> to vector<128x2560xf32>
      %dot_general3A_126 = arith.constant dense<0.000000e+00> : vector<128x128xf32>
      %dot_general3A_127 = tpu.matmul %convert_element_type3A_125, %add3A_48, %dot_general3A_126 {dimension_numbers = #tpu.dot_dimension_numbers<[1], [0], [0], [1], [0, 0, 1, 1], [], []>, transpose_lhs_hint = false} : vector<128x2560xf32>, vector<2560x128xf32>, vector<128x128xf32> -> vector<128x128xf32>
      %dot_general3A_128 = arith.constant dense<0.000000e+00> : vector<128x8xf32>
      %dot_general3A_129 = tpu.matmul %convert_element_type3A_125, %broadcast_in_dim3A_64, %dot_general3A_128 {dimension_numbers = #tpu.dot_dimension_numbers<[1], [0], [0], [1], [0, 0, 1, 1], [], []>, transpose_lhs_hint = false} : vector<128x2560xf32>, vector<2560x8xf32>, vector<128x8xf32> -> vector<128x8xf32>
      %get3A_130 = arith.index_cast %multiple_of3A_117 : i32 to index
      %get3A_131 = arith.constant 0 : index
      %get3A_132 = vector.load %arg18[%get3A_130, %get3A_131] : memref<10624x128xf32, #tpu.memory_space<vmem>>, vector<128x128xf32>
      %add3A_133 = arith.addf %get3A_132, %dot_general3A_127 : vector<128x128xf32>
      %swap3A_134 = arith.index_cast %multiple_of3A_117 : i32 to index
      %swap3A_135 = arith.constant 0 : index
      %swap3A_136 = vector.load %arg18[%swap3A_134, %swap3A_135] : memref<10624x128xf32, #tpu.memory_space<vmem>>, vector<128x128xf32>
      tpu.vector_store %arg18[%swap3A_134, %swap3A_135], %add3A_133 {strides = array<i32>} : memref<10624x128xf32, #tpu.memory_space<vmem>>, vector<128x128xf32>,
      %get3A_137 = arith.index_cast %multiple_of3A_117 : i32 to index
      %get3A_138 = arith.constant 0 : index
      %get3A_139 = vector.load %arg19[%get3A_137, %get3A_138] : memref<10624x8xf32, #tpu.memory_space<vmem>>, vector<128x8xf32>
      %add3A_140 = arith.addf %get3A_139, %dot_general3A_129 : vector<128x8xf32>
      %swap3A_141 = arith.index_cast %multiple_of3A_117 : i32 to index
      %swap3A_142 = arith.constant 0 : index
      %swap3A_143 = vector.load %arg19[%swap3A_141, %swap3A_142] : memref<10624x8xf32, #tpu.memory_space<vmem>>, vector<128x8xf32>
      tpu.vector_store %arg19[%swap3A_141, %swap3A_142], %add3A_140 {strides = array<i32>} : memref<10624x8xf32, #tpu.memory_space<vmem>>, vector<128x8xf32>,
      %add3A_144 = arith.constant 128 : i32
      %add3A_145 = arith.addi %while3A_116, %add3A_144 : i32
      scf.yield %add3A_145 : i32
    }
    %eq3A_111 = arith.constant 124 : i32
    %eq3A_112 = arith.cmpi eq, %arg0, %eq3A_111 : i32
    %convert_element_type3A_113 = arith.extui %eq3A_112 : i1 to i32
    %cond3A_114 = arith.constant 0 : i32
    %cond3A_115 = arith.cmpi ne, %convert_element_type3A_113, %cond3A_114 : i32
    scf.if %cond3A_115 {
      %get3A_116 = arith.constant 0 : index
      %get3A_117 = arith.constant 0 : index
      %get3A_118 = vector.load %arg18[%get3A_116, %get3A_117] : memref<10624x128xf32, #tpu.memory_space<vmem>>, vector<10000x128xf32>
      %get3A_119 = arith.constant 0 : index
      %get3A_120 = arith.constant 0 : index
      %get3A_121 = vector.load %arg19[%get3A_119, %get3A_120] : memref<10624x8xf32, #tpu.memory_space<vmem>>, vector<10000x1xf32>
      %max3A = arith.constant 1.000000e+00 : f32
      %max3A_122 = vector.broadcast %max3A : f32 to vector<10000x1xf32>
      %max3A_123 = arith.maximumf %get3A_121, %max3A_122 : vector<10000x1xf32>
      %div3A_124 = vector.broadcast %max3A_123 : vector<10000x1xf32> to vector<10000x128xf32>
      %div3A_125 = arith.divf %get3A_118, %div3A_124 : vector<10000x128xf32>
      %get3A_126 = arith.constant 0 : index
      %get3A_127 = arith.constant 0 : index
      %get3A_128 = vector.load %arg9[%get3A_126, %get3A_127] : memref<128x64xf32, #tpu.memory_space<vmem>>, vector<128x64xf32>
      %dot_general3A_129 = arith.constant dense<0.000000e+00> : vector<10000x64xf32>
      %dot_general3A_130 = tpu.matmul %div3A_125, %get3A_128, %dot_general3A_129 {dimension_numbers = #tpu.dot_dimension_numbers<[1], [0], [0], [1], [0, 0, 1, 1], [], []>, transpose_lhs_hint = false} : vector<10000x128xf32>, vector<128x64xf32>, vector<10000x64xf32> -> vector<10000x64xf32>
      %get3A_131 = arith.constant 0 : index
      %get3A_132 = arith.constant 0 : index
      %get3A_133 = vector.load %arg10[%get3A_131, %get3A_132] : memref<1x64xf32, #tpu.memory_space<vmem>>, vector<1x64xf32>
      %add3A_134 = vector.broadcast %get3A_133 : vector<1x64xf32> to vector<10000x64xf32>
      %add3A_135 = arith.addf %dot_general3A_130, %add3A_134 : vector<10000x64xf32>
      %gt3A_136 = arith.constant 0.000000e+00 : f32
      %gt3A_137 = vector.broadcast %gt3A_136 : f32 to vector<10000x64xf32>
      %gt3A_138 = arith.cmpf ogt, %add3A_135, %gt3A_137 : vector<10000x64xf32>
      %min3A_139 = arith.constant 0.000000e+00 : f32
      %min3A_140 = vector.broadcast %min3A_139 : f32 to vector<10000x64xf32>
      %min3A_141 = arith.minimumf %add3A_135, %min3A_140 : vector<10000x64xf32>
      %exp3A_142 = math.exp %min3A_141 : vector<10000x64xf32>
      %sub3A_143 = arith.constant 1.000000e+00 : f32
      %sub3A_144 = vector.broadcast %sub3A_143 : f32 to vector<10000x64xf32>
      %sub3A_145 = arith.subf %exp3A_142, %sub3A_144 : vector<10000x64xf32>
      %select_n3A_146 = arith.select %gt3A_138, %add3A_135, %sub3A_145 : vector<10000x64xi1>, vector<10000x64xf32>
      %get3A_147 = arith.constant 0 : index
      %get3A_148 = arith.constant 0 : index
      %get3A_149 = vector.load %arg11[%get3A_147, %get3A_148] : memref<64x64xf32, #tpu.memory_space<vmem>>, vector<64x64xf32>
      %dot_general3A_150 = arith.constant dense<0.000000e+00> : vector<10000x64xf32>
      %dot_general3A_151 = tpu.matmul %select_n3A_146, %get3A_149, %dot_general3A_150 {dimension_numbers = #tpu.dot_dimension_numbers<[1], [0], [0], [1], [0, 0, 1, 1], [], []>, transpose_lhs_hint = false} : vector<10000x64xf32>, vector<64x64xf32>, vector<10000x64xf32> -> vector<10000x64xf32>
      %get3A_152 = arith.constant 0 : index
      %get3A_153 = arith.constant 0 : index
      %get3A_154 = vector.load %arg12[%get3A_152, %get3A_153] : memref<1x64xf32, #tpu.memory_space<vmem>>, vector<1x64xf32>
      %add3A_155 = vector.broadcast %get3A_154 : vector<1x64xf32> to vector<10000x64xf32>
      %add3A_156 = arith.addf %dot_general3A_151, %add3A_155 : vector<10000x64xf32>
      %gt3A_157 = arith.constant 0.000000e+00 : f32
      %gt3A_158 = vector.broadcast %gt3A_157 : f32 to vector<10000x64xf32>
      %gt3A_159 = arith.cmpf ogt, %add3A_156, %gt3A_158 : vector<10000x64xf32>
      %min3A_160 = arith.constant 0.000000e+00 : f32
      %min3A_161 = vector.broadcast %min3A_160 : f32 to vector<10000x64xf32>
      %min3A_162 = arith.minimumf %add3A_156, %min3A_161 : vector<10000x64xf32>
      %exp3A_163 = math.exp %min3A_162 : vector<10000x64xf32>
      %sub3A_164 = arith.constant 1.000000e+00 : f32
      %sub3A_165 = vector.broadcast %sub3A_164 : f32 to vector<10000x64xf32>
      %sub3A_166 = arith.subf %exp3A_163, %sub3A_165 : vector<10000x64xf32>
      %select_n3A_167 = arith.select %gt3A_159, %add3A_156, %sub3A_166 : vector<10000x64xi1>, vector<10000x64xf32>
      %get3A_168 = arith.constant 0 : index
      %get3A_169 = arith.constant 0 : index
      %get3A_170 = vector.load %arg13[%get3A_168, %get3A_169] : memref<64x1xf32, #tpu.memory_space<vmem>>, vector<64x1xf32>
      %dot_general3A_171 = arith.constant dense<0.000000e+00> : vector<10000x1xf32>
      %dot_general3A_172 = tpu.matmul %select_n3A_167, %get3A_170, %dot_general3A_171 {dimension_numbers = #tpu.dot_dimension_numbers<[1], [0], [0], [1], [0, 0, 1, 1], [], []>, transpose_lhs_hint = false} : vector<10000x64xf32>, vector<64x1xf32>, vector<10000x1xf32> -> vector<10000x1xf32>
      %get3A_173 = arith.constant 0 : index
      %get3A_174 = arith.constant 0 : index
      %get3A_175 = vector.load %arg14[%get3A_173, %get3A_174] : memref<1x1xf32, #tpu.memory_space<vmem>>, vector<1x1xf32>
      %add3A_176 = vector.broadcast %get3A_175 : vector<1x1xf32> to vector<10000x1xf32>
      %add3A_177 = arith.addf %dot_general3A_172, %add3A_176 : vector<10000x1xf32>
      %swap3A_178 = arith.constant 0 : index
      %swap3A_179 = arith.constant 0 : index
      %swap3A_180 = vector.load %arg16[%swap3A_178, %swap3A_179] : memref<10000x1xf32, #tpu.memory_space<vmem>>, vector<10000x1xf32>
      tpu.vector_store %arg16[%swap3A_178, %swap3A_179], %add3A_177 {strides = array<i32>} : memref<10000x1xf32, #tpu.memory_space<vmem>>, vector<10000x1xf32>,
      %swap3A_181 = arith.constant 0 : index
      %swap3A_182 = arith.constant 0 : index
      %swap3A_183 = vector.load %arg17[%swap3A_181, %swap3A_182] : memref<10000x128xf32, #tpu.memory_space<vmem>>, vector<10000x128xf32>
      tpu.vector_store %arg17[%swap3A_181, %swap3A_182], %div3A_125 {strides = array<i32>} : memref<10000x128xf32, #tpu.memory_space<vmem>>, vector<10000x128xf32>,
    } else {
    }
    return
  }
  func.func @transform_0(%arg0: i32) -> (i32, i32) {
    %c0_i32 = arith.constant 0 : i32
    %c0_i32_0 = arith.constant 0 : i32
    return %arg0, %c0_i32 : i32, i32
  }
  func.func @transform_1(%arg0: i32) -> (i32, i32, i32) {
    %c0_i32 = arith.constant 0 : i32
    %c0_i32_0 = arith.constant 0 : i32
    %c0_i32_1 = arith.constant 0 : i32
    return %arg0, %c0_i32, %c0_i32_0 : i32, i32, i32
  }
  func.func @transform_2(%arg0: i32) -> (i32, i32) {
    %c0_i32 = arith.constant 0 : i32
    %c0_i32_0 = arith.constant 0 : i32
    %c0_i32_1 = arith.constant 0 : i32
    return %c0_i32, %c0_i32_0 : i32, i32
  }
  func.func @transform_3(%arg0: i32) -> (i32, i32) {
    %c0_i32 = arith.constant 0 : i32
    %c0_i32_0 = arith.constant 0 : i32
    %c0_i32_1 = arith.constant 0 : i32
    return %c0_i32, %c0_i32_0 : i32, i32
  }
  func.func @transform_4(%arg0: i32) -> (i32, i32) {
    %c0_i32 = arith.constant 0 : i32
    %c0_i32_0 = arith.constant 0 : i32
    %c0_i32_1 = arith.constant 0 : i32
    return %c0_i32, %c0_i32_0 : i32, i32
  }
  func.func @transform_5(%arg0: i32) -> (i32, i32) {
    %c0_i32 = arith.constant 0 : i32
    %c0_i32_0 = arith.constant 0 : i32
    %c0_i32_1 = arith.constant 0 : i32
    return %c0_i32, %c0_i32_0 : i32, i32
  }
  func.func @transform_6(%arg0: i32) -> (i32, i32) {
    %c0_i32 = arith.constant 0 : i32
    %c0_i32_0 = arith.constant 0 : i32
    %c0_i32_1 = arith.constant 0 : i32
    return %c0_i32, %c0_i32_0 : i32, i32
  }
  func.func @transform_7(%arg0: i32) -> (i32, i32) {
    %c0_i32 = arith.constant 0 : i32
    %c0_i32_0 = arith.constant 0 : i32
    %c0_i32_1 = arith.constant 0 : i32
    return %c0_i32, %c0_i32_0 : i32, i32
  }
  func.func @transform_8(%arg0: i32) -> (i32, i32) {
    %c0_i32 = arith.constant 0 : i32
    %c0_i32_0 = arith.constant 0 : i32
    %c0_i32_1 = arith.constant 0 : i32
    return %c0_i32, %c0_i32_0 : i32, i32
  }
  func.func @transform_9(%arg0: i32) -> (i32, i32) {
    %c0_i32 = arith.constant 0 : i32
    %c0_i32_0 = arith.constant 0 : i32
    %c0_i32_1 = arith.constant 0 : i32
    return %c0_i32, %c0_i32_0 : i32, i32
  }
  func.func @transform_10(%arg0: i32) -> (i32, i32) {
    %c0_i32 = arith.constant 0 : i32
    %c0_i32_0 = arith.constant 0 : i32
    %c0_i32_1 = arith.constant 0 : i32
    return %c0_i32, %c0_i32_0 : i32, i32
  }
  func.func @transform_11(%arg0: i32) -> (i32, i32) {
    %c0_i32 = arith.constant 0 : i32
    %c0_i32_0 = arith.constant 0 : i32
    %c0_i32_1 = arith.constant 0 : i32
    return %c0_i32, %c0_i32_0 : i32, i32
  }
  func.func @transform_12(%arg0: i32) -> (i32, i32) {
    %c0_i32 = arith.constant 0 : i32
    %c0_i32_0 = arith.constant 0 : i32
    %c0_i32_1 = arith.constant 0 : i32
    return %c0_i32, %c0_i32_0 : i32, i32
  }
  func.func @transform_13(%arg0: i32) -> (i32, i32) {
    %c0_i32 = arith.constant 0 : i32
    %c0_i32_0 = arith.constant 0 : i32
    %c0_i32_1 = arith.constant 0 : i32
    return %c0_i32, %c0_i32_0 : i32, i32
  }
  func.func @transform_14(%arg0: i32) -> (i32, i32) {
    %c0_i32 = arith.constant 0 : i32
    %c0_i32_0 = arith.constant 0 : i32
    return %arg0, %c0_i32 : i32, i32
  }
  func.func @transform_15(%arg0: i32) -> (i32, i32) {
    %c0_i32 = arith.constant 0 : i32
    %c0_i32_0 = arith.constant 0 : i32
    %c0_i32_1 = arith.constant 0 : i32
    return %c0_i32, %c0_i32_0 : i32, i32
  }
  func.func @transform_16(%arg0: i32) -> (i32, i32) {
    %c0_i32 = arith.constant 0 : i32
    %c0_i32_0 = arith.constant 0 : i32
    %c0_i32_1 = arith.constant 0 : i32
    return %c0_i32, %c0_i32_0 : i32, i32
  }
}

module attributes {stable_mosaic.version = 14 : i64} {
  func.func @_phase_e_body(%arg0: i32, %arg1: memref<6400x128xf32, #tpu.memory_space<vmem>>, %arg2: memref<6400x128xf32, #tpu.memory_space<vmem>>, %arg3: memref<6400x128xf32, #tpu.memory_space<vmem>>, %arg4: memref<128x64xf32, #tpu.memory_space<vmem>>, %arg5: memref<1x64xf32, #tpu.memory_space<vmem>>, %arg6: memref<64x2xf32, #tpu.memory_space<vmem>>, %arg7: memref<1x2xf32, #tpu.memory_space<vmem>>, %arg8: memref<6400x2xf32, #tpu.memory_space<vmem>>) attributes {dimension_semantics = [#tpu.dimension_semantics<arbitrary>], iteration_bounds = array<i64: 25>, scalar_prefetch = 0 : i64, scratch_operands = 0 : i64, tpu.core_type = #tpu.core_type<tc>, window_params = [{transform_indices = @transform_0, window_bounds = array<i64: 6400, 128>}, {transform_indices = @transform_1, window_bounds = array<i64: 6400, 128>}, {transform_indices = @transform_2, window_bounds = array<i64: 6400, 128>}, {pipeline_mode = #tpu.pipeline_mode<synchronous>, transform_indices = @transform_3, window_bounds = array<i64: 128, 64>}, {pipeline_mode = #tpu.pipeline_mode<synchronous>, transform_indices = @transform_4, window_bounds = array<i64: 1, 64>}, {pipeline_mode = #tpu.pipeline_mode<synchronous>, transform_indices = @transform_5, window_bounds = array<i64: 64, 2>}, {pipeline_mode = #tpu.pipeline_mode<synchronous>, transform_indices = @transform_6, window_bounds = array<i64: 1, 2>}, {transform_indices = @transform_7, window_bounds = array<i64: 6400, 2>}]} {
    %get3A = arith.constant 0 : index
    %get3A_0 = arith.constant 0 : index
    %get3A_1 = vector.load %arg1[%get3A, %get3A_0] : memref<6400x128xf32, #tpu.memory_space<vmem>>, vector<6400x128xf32>
    %get3A_2 = arith.constant 0 : index
    %get3A_3 = arith.constant 0 : index
    %get3A_4 = vector.load %arg3[%get3A_2, %get3A_3] : memref<6400x128xf32, #tpu.memory_space<vmem>>, vector<6400x128xf32>
    %add3A = arith.addf %get3A_1, %get3A_4 : vector<6400x128xf32>
    %get3A_5 = arith.constant 0 : index
    %get3A_6 = arith.constant 0 : index
    %get3A_7 = vector.load %arg2[%get3A_5, %get3A_6] : memref<6400x128xf32, #tpu.memory_space<vmem>>, vector<6400x128xf32>
    %sub3A = arith.subf %add3A, %get3A_7 : vector<6400x128xf32>
    %get3A_8 = arith.constant 0 : index
    %get3A_9 = arith.constant 0 : index
    %get3A_10 = vector.load %arg4[%get3A_8, %get3A_9] : memref<128x64xf32, #tpu.memory_space<vmem>>, vector<128x64xf32>
    %dot_general3A = arith.constant dense<0.000000e+00> : vector<6400x64xf32>
    %dot_general3A_11 = tpu.matmul %sub3A, %get3A_10, %dot_general3A {dimension_numbers = #tpu.dot_dimension_numbers<[1], [0], [0], [1], [0, 0, 1, 1], [], []>, transpose_lhs_hint = false} : vector<6400x128xf32>, vector<128x64xf32>, vector<6400x64xf32> -> vector<6400x64xf32>
    %get3A_12 = arith.constant 0 : index
    %get3A_13 = arith.constant 0 : index
    %get3A_14 = vector.load %arg5[%get3A_12, %get3A_13] : memref<1x64xf32, #tpu.memory_space<vmem>>, vector<1x64xf32>
    %add3A_15 = vector.broadcast %get3A_14 : vector<1x64xf32> to vector<6400x64xf32>
    %add3A_16 = arith.addf %dot_general3A_11, %add3A_15 : vector<6400x64xf32>
    %gt3A = arith.constant 0.000000e+00 : f32
    %gt3A_17 = vector.broadcast %gt3A : f32 to vector<6400x64xf32>
    %gt3A_18 = arith.cmpf ogt, %add3A_16, %gt3A_17 : vector<6400x64xf32>
    %min3A = arith.constant 0.000000e+00 : f32
    %min3A_19 = vector.broadcast %min3A : f32 to vector<6400x64xf32>
    %min3A_20 = arith.minimumf %add3A_16, %min3A_19 : vector<6400x64xf32>
    %exp3A = math.exp %min3A_20 : vector<6400x64xf32>
    %sub3A_21 = arith.constant 1.000000e+00 : f32
    %sub3A_22 = vector.broadcast %sub3A_21 : f32 to vector<6400x64xf32>
    %sub3A_23 = arith.subf %exp3A, %sub3A_22 : vector<6400x64xf32>
    %select_n3A = arith.select %gt3A_18, %add3A_16, %sub3A_23 : vector<6400x64xi1>, vector<6400x64xf32>
    %get3A_24 = arith.constant 0 : index
    %get3A_25 = arith.constant 0 : index
    %get3A_26 = vector.load %arg6[%get3A_24, %get3A_25] : memref<64x2xf32, #tpu.memory_space<vmem>>, vector<64x2xf32>
    %dot_general3A_27 = arith.constant dense<0.000000e+00> : vector<6400x2xf32>
    %dot_general3A_28 = tpu.matmul %select_n3A, %get3A_26, %dot_general3A_27 {dimension_numbers = #tpu.dot_dimension_numbers<[1], [0], [0], [1], [0, 0, 1, 1], [], []>, transpose_lhs_hint = false} : vector<6400x64xf32>, vector<64x2xf32>, vector<6400x2xf32> -> vector<6400x2xf32>
    %get3A_29 = arith.constant 0 : index
    %get3A_30 = arith.constant 0 : index
    %get3A_31 = vector.load %arg7[%get3A_29, %get3A_30] : memref<1x2xf32, #tpu.memory_space<vmem>>, vector<1x2xf32>
    %add3A_32 = vector.broadcast %get3A_31 : vector<1x2xf32> to vector<6400x2xf32>
    %add3A_33 = arith.addf %dot_general3A_28, %add3A_32 : vector<6400x2xf32>
    %swap3A = arith.constant 0 : index
    %swap3A_34 = arith.constant 0 : index
    %swap3A_35 = vector.load %arg8[%swap3A, %swap3A_34] : memref<6400x2xf32, #tpu.memory_space<vmem>>, vector<6400x2xf32>
    tpu.vector_store %arg8[%swap3A, %swap3A_34], %add3A_33 {strides = array<i32>} : memref<6400x2xf32, #tpu.memory_space<vmem>>, vector<6400x2xf32>,
    return
  }
  func.func @transform_0(%arg0: i32) -> (i32, i32) {
    %add3A = arith.constant 0 : i32
    %add3A_0 = arith.addi %arg0, %add3A : i32
    %c0_i32 = arith.constant 0 : i32
    %c0_i32_1 = arith.constant 0 : i32
    return %add3A_0, %c0_i32 : i32, i32
  }
  func.func @transform_1(%arg0: i32) -> (i32, i32) {
    %add3A = arith.constant 0 : i32
    %add3A_0 = arith.addi %arg0, %add3A : i32
    %c0_i32 = arith.constant 0 : i32
    %c0_i32_1 = arith.constant 0 : i32
    return %add3A_0, %c0_i32 : i32, i32
  }
  func.func @transform_2(%arg0: i32) -> (i32, i32) {
    %c0_i32 = arith.constant 0 : i32
    %c0_i32_0 = arith.constant 0 : i32
    return %arg0, %c0_i32 : i32, i32
  }
  func.func @transform_3(%arg0: i32) -> (i32, i32) {
    %c0_i32 = arith.constant 0 : i32
    %c0_i32_0 = arith.constant 0 : i32
    %c0_i32_1 = arith.constant 0 : i32
    return %c0_i32, %c0_i32_0 : i32, i32
  }
  func.func @transform_4(%arg0: i32) -> (i32, i32) {
    %c0_i32 = arith.constant 0 : i32
    %c0_i32_0 = arith.constant 0 : i32
    %c0_i32_1 = arith.constant 0 : i32
    return %c0_i32, %c0_i32_0 : i32, i32
  }
  func.func @transform_5(%arg0: i32) -> (i32, i32) {
    %c0_i32 = arith.constant 0 : i32
    %c0_i32_0 = arith.constant 0 : i32
    %c0_i32_1 = arith.constant 0 : i32
    return %c0_i32, %c0_i32_0 : i32, i32
  }
  func.func @transform_6(%arg0: i32) -> (i32, i32) {
    %c0_i32 = arith.constant 0 : i32
    %c0_i32_0 = arith.constant 0 : i32
    %c0_i32_1 = arith.constant 0 : i32
    return %c0_i32, %c0_i32_0 : i32, i32
  }
  func.func @transform_7(%arg0: i32) -> (i32, i32) {
    %c0_i32 = arith.constant 0 : i32
    %c0_i32_0 = arith.constant 0 : i32
    return %arg0, %c0_i32 : i32, i32
  }
}

module attributes {stable_mosaic.version = 14 : i64} {
  func.func @_phase_e_body(%arg0: i32, %arg1: memref<6400x128xf32, #tpu.memory_space<vmem>>, %arg2: memref<6400x128xf32, #tpu.memory_space<vmem>>, %arg3: memref<6400x128xf32, #tpu.memory_space<vmem>>, %arg4: memref<128x64xf32, #tpu.memory_space<vmem>>, %arg5: memref<1x64xf32, #tpu.memory_space<vmem>>, %arg6: memref<64x2xf32, #tpu.memory_space<vmem>>, %arg7: memref<1x2xf32, #tpu.memory_space<vmem>>, %arg8: memref<6400x2xf32, #tpu.memory_space<vmem>>) attributes {dimension_semantics = [#tpu.dimension_semantics<arbitrary>], iteration_bounds = array<i64: 25>, scalar_prefetch = 0 : i64, scratch_operands = 0 : i64, tpu.core_type = #tpu.core_type<tc>, window_params = [{transform_indices = @transform_0, window_bounds = array<i64: 6400, 128>}, {transform_indices = @transform_1, window_bounds = array<i64: 6400, 128>}, {transform_indices = @transform_2, window_bounds = array<i64: 6400, 128>}, {pipeline_mode = #tpu.pipeline_mode<synchronous>, transform_indices = @transform_3, window_bounds = array<i64: 128, 64>}, {pipeline_mode = #tpu.pipeline_mode<synchronous>, transform_indices = @transform_4, window_bounds = array<i64: 1, 64>}, {pipeline_mode = #tpu.pipeline_mode<synchronous>, transform_indices = @transform_5, window_bounds = array<i64: 64, 2>}, {pipeline_mode = #tpu.pipeline_mode<synchronous>, transform_indices = @transform_6, window_bounds = array<i64: 1, 2>}, {transform_indices = @transform_7, window_bounds = array<i64: 6400, 2>}]} {
    %get3A = arith.constant 0 : index
    %get3A_0 = arith.constant 0 : index
    %get3A_1 = vector.load %arg1[%get3A, %get3A_0] : memref<6400x128xf32, #tpu.memory_space<vmem>>, vector<6400x128xf32>
    %get3A_2 = arith.constant 0 : index
    %get3A_3 = arith.constant 0 : index
    %get3A_4 = vector.load %arg3[%get3A_2, %get3A_3] : memref<6400x128xf32, #tpu.memory_space<vmem>>, vector<6400x128xf32>
    %add3A = arith.addf %get3A_1, %get3A_4 : vector<6400x128xf32>
    %get3A_5 = arith.constant 0 : index
    %get3A_6 = arith.constant 0 : index
    %get3A_7 = vector.load %arg2[%get3A_5, %get3A_6] : memref<6400x128xf32, #tpu.memory_space<vmem>>, vector<6400x128xf32>
    %sub3A = arith.subf %add3A, %get3A_7 : vector<6400x128xf32>
    %get3A_8 = arith.constant 0 : index
    %get3A_9 = arith.constant 0 : index
    %get3A_10 = vector.load %arg4[%get3A_8, %get3A_9] : memref<128x64xf32, #tpu.memory_space<vmem>>, vector<128x64xf32>
    %dot_general3A = arith.constant dense<0.000000e+00> : vector<6400x64xf32>
    %dot_general3A_11 = tpu.matmul %sub3A, %get3A_10, %dot_general3A {dimension_numbers = #tpu.dot_dimension_numbers<[1], [0], [0], [1], [0, 0, 1, 1], [], []>, transpose_lhs_hint = false} : vector<6400x128xf32>, vector<128x64xf32>, vector<6400x64xf32> -> vector<6400x64xf32>
    %get3A_12 = arith.constant 0 : index
    %get3A_13 = arith.constant 0 : index
    %get3A_14 = vector.load %arg5[%get3A_12, %get3A_13] : memref<1x64xf32, #tpu.memory_space<vmem>>, vector<1x64xf32>
    %add3A_15 = vector.broadcast %get3A_14 : vector<1x64xf32> to vector<6400x64xf32>
    %add3A_16 = arith.addf %dot_general3A_11, %add3A_15 : vector<6400x64xf32>
    %gt3A = arith.constant 0.000000e+00 : f32
    %gt3A_17 = vector.broadcast %gt3A : f32 to vector<6400x64xf32>
    %gt3A_18 = arith.cmpf ogt, %add3A_16, %gt3A_17 : vector<6400x64xf32>
    %min3A = arith.constant 0.000000e+00 : f32
    %min3A_19 = vector.broadcast %min3A : f32 to vector<6400x64xf32>
    %min3A_20 = arith.minimumf %add3A_16, %min3A_19 : vector<6400x64xf32>
    %exp3A = math.exp %min3A_20 : vector<6400x64xf32>
    %sub3A_21 = arith.constant 1.000000e+00 : f32
    %sub3A_22 = vector.broadcast %sub3A_21 : f32 to vector<6400x64xf32>
    %sub3A_23 = arith.subf %exp3A, %sub3A_22 : vector<6400x64xf32>
    %select_n3A = arith.select %gt3A_18, %add3A_16, %sub3A_23 : vector<6400x64xi1>, vector<6400x64xf32>
    %get3A_24 = arith.constant 0 : index
    %get3A_25 = arith.constant 0 : index
    %get3A_26 = vector.load %arg6[%get3A_24, %get3A_25] : memref<64x2xf32, #tpu.memory_space<vmem>>, vector<64x2xf32>
    %dot_general3A_27 = arith.constant dense<0.000000e+00> : vector<6400x2xf32>
    %dot_general3A_28 = tpu.matmul %select_n3A, %get3A_26, %dot_general3A_27 {dimension_numbers = #tpu.dot_dimension_numbers<[1], [0], [0], [1], [0, 0, 1, 1], [], []>, transpose_lhs_hint = false} : vector<6400x64xf32>, vector<64x2xf32>, vector<6400x2xf32> -> vector<6400x2xf32>
    %get3A_29 = arith.constant 0 : index
    %get3A_30 = arith.constant 0 : index
    %get3A_31 = vector.load %arg7[%get3A_29, %get3A_30] : memref<1x2xf32, #tpu.memory_space<vmem>>, vector<1x2xf32>
    %add3A_32 = vector.broadcast %get3A_31 : vector<1x2xf32> to vector<6400x2xf32>
    %add3A_33 = arith.addf %dot_general3A_28, %add3A_32 : vector<6400x2xf32>
    %swap3A = arith.constant 0 : index
    %swap3A_34 = arith.constant 0 : index
    %swap3A_35 = vector.load %arg8[%swap3A, %swap3A_34] : memref<6400x2xf32, #tpu.memory_space<vmem>>, vector<6400x2xf32>
    tpu.vector_store %arg8[%swap3A, %swap3A_34], %add3A_33 {strides = array<i32>} : memref<6400x2xf32, #tpu.memory_space<vmem>>, vector<6400x2xf32>,
    return
  }
  func.func @transform_0(%arg0: i32) -> (i32, i32) {
    %add3A = arith.constant 25 : i32
    %add3A_0 = arith.addi %arg0, %add3A : i32
    %c0_i32 = arith.constant 0 : i32
    %c0_i32_1 = arith.constant 0 : i32
    return %add3A_0, %c0_i32 : i32, i32
  }
  func.func @transform_1(%arg0: i32) -> (i32, i32) {
    %add3A = arith.constant 25 : i32
    %add3A_0 = arith.addi %arg0, %add3A : i32
    %c0_i32 = arith.constant 0 : i32
    %c0_i32_1 = arith.constant 0 : i32
    return %add3A_0, %c0_i32 : i32, i32
  }
  func.func @transform_2(%arg0: i32) -> (i32, i32) {
    %c0_i32 = arith.constant 0 : i32
    %c0_i32_0 = arith.constant 0 : i32
    return %arg0, %c0_i32 : i32, i32
  }
  func.func @transform_3(%arg0: i32) -> (i32, i32) {
    %c0_i32 = arith.constant 0 : i32
    %c0_i32_0 = arith.constant 0 : i32
    %c0_i32_1 = arith.constant 0 : i32
    return %c0_i32, %c0_i32_0 : i32, i32
  }
  func.func @transform_4(%arg0: i32) -> (i32, i32) {
    %c0_i32 = arith.constant 0 : i32
    %c0_i32_0 = arith.constant 0 : i32
    %c0_i32_1 = arith.constant 0 : i32
    return %c0_i32, %c0_i32_0 : i32, i32
  }
  func.func @transform_5(%arg0: i32) -> (i32, i32) {
    %c0_i32 = arith.constant 0 : i32
    %c0_i32_0 = arith.constant 0 : i32
    %c0_i32_1 = arith.constant 0 : i32
    return %c0_i32, %c0_i32_0 : i32, i32
  }
  func.func @transform_6(%arg0: i32) -> (i32, i32) {
    %c0_i32 = arith.constant 0 : i32
    %c0_i32_0 = arith.constant 0 : i32
    %c0_i32_1 = arith.constant 0 : i32
    return %c0_i32, %c0_i32_0 : i32, i32
  }
  func.func @transform_7(%arg0: i32) -> (i32, i32) {
    %c0_i32 = arith.constant 0 : i32
    %c0_i32_0 = arith.constant 0 : i32
    return %arg0, %c0_i32 : i32, i32
  }
}

</mosaic_0001>

<sc_bundles>
// kernel: kernel.10.cloned.1.call-start
scs
__scs_entry_jumppad:
0x0: {  	(pc) =	sbr.rel $0x88, $3  }
0x1: {  	(tag) =	ssettag $0x0;
	lr =	simm.s32 $0x1  }
0x2: {  	[smem:$0x3F8E] =	sst lr;
	_ =	strace $0xD0000000  }
0x3: {  	_ = 	snop  }
0x4: {  	_ = 	snop  }
0x5: {  	_ = 	snop  }
0x6: {  	_ = 	snop  }
0x7: {  	_ = 	snop  }
__scs_overlays_trampoline_lowered:
0x8: {  	[smem:$0x3F9D] =	sst s0  }
0x9: {  	[smem:$0x3F9E] =	sst s1  }
0xa: {  	[smem:$0x3F9F] =	sst s2  }
0xb: {  	[smem:$0x3FA0] =	sst s3  }
0xc: {  	[smem:$0x3FA1] =	sst s4  }
0xd: {  	[smem:$0x3FA2] =	sst s5  }
0xe: {  	[smem:$0x3FA3] =	sst s6  }
0xf: {  	[smem:$0x3FA4] =	sst s7  }
0x10: {  	[smem:$0x3FA5] =	sst s8  }
0x11: {  	[smem:$0x3FA6] =	sst s9;
	s0 =	simm.s32 @!p0 $0x0  }
0x12: {  	s1 =	sld [smem:$0x3F8C];
	s0 =	simm.s32 @p0 $0x1  }
0x13: {  	[smem:$0x3FA7] =	sst s0;
	s0 =	simm.s32 @!p1 $0x0  }
0x14: {  	s2 =	sld [smem:$0x3F8B];
	s0 =	simm.s32 @p1 $0x1  }
0x15: {  	[smem:$0x3FA8] =	sst s0;
	s0 =	simm.s32 @!p2 $0x0  }
0x16: {  	s3 =	sld [smem:$0x3FDB];
	s0 =	simm.s32 @p2 $0x1  }
0x17: {  	s4 =	simm.s32 $0x1BF5;
	[smem:$0x3FAA] =	sst s0  }
0x18: {  	s0 =	sld [smem:$0x3F8D];
	_ =	swait.ge [sflag:s4], $0x0  }
0x19: {  	s7 =	sld [smem:$0x3F8E]  }
0x1a: {  	s8 =	sadd.s32 $0xFFFFE003, lr  }
0x1b: {  	s9 =	sadd.s32 $0xFFFFFEF7, lr;
	s5 =	simm.s32 $0xFFFFFFFF;
	p2 =	slt.u32 s8, $0xFFFFF086  }
0x1c: {  	p1 =	slt.u32 s9, $0xF7A;
	s5 =	simm.s32 @!p2 $0x0  }
0x1d: {  	s5 =	simm.s32 @p1 $0x1;
	p0 =	seq.s32 s7, s2  }
0x1e: {  	s7 =	smul.u32 @!p0 $0xF7A, s2;
	p2 =	seq.s32 @!p0 s5, $0x0  }
0x1f: {  	s9 =	smul.u32 $0xF7A, s1;
	s8 =	simm.s32 @!p0 $0x1BF5;
	p2 =	por !p2, p0  }
0x20: {  	[sflag:s8] =	ssyncset.s32 @!p0 $0xFFFFF086;
	s6 =	sadd.s32 @!p0 s3, s7;
	s7 =	simm.s32 @!p0 $0x108  }
0x21: {  	s3 =	sadd.s32 s3, s9;
	s6 =	sadd.s32 @!p0 $0x88, s6;
	s7 =	simm.s32 @p2 $0x1082  }
0x22: {  	[simem:s7], [sflag:s8] =	dma.local @!p0 [hbm:s6], $0xF7A  }
0x23: {  	s9 =	sor.u32 $0xD0000000, s2;
	s6 =	simm.s32 $0x108;
	_ =	swait.ge @!p0 [sflag:s8], $0x0  }
0x24: {  	s3 =	sadd.s32 $0x88, s3;
	s6 =	simm.s32 @!p1 $0x1082;
	[sflag:s4] =	ssyncset.s32 $0xFFFFF086  }
0x25: {  	[simem:s6], [sflag:s4] =	dma.local [hbm:s3], $0xF7A  }
0x26: {  	[smem:$0x3F8E] =	sst s1;
	(tag) =	ssettag s2;
	_ =	strace s9  }
0x27: {  	s1 =	sld [smem:$0x3F9E]  }
0x28: {  	s2 =	sld [smem:$0x3F9F]  }
0x29: {  	s4 =	sld [smem:$0x3FA1]  }
0x2a: {  	p0 =	seq.s32 s5, $0x0;
	s5 =	sld [smem:$0x3FA2]  }
0x2b: {  	s6 =	sld [smem:$0x3FA3]  }
0x2c: {  	s7 =	sld [smem:$0x3FA4]  }
0x2d: {  	s3 =	simm.s32 $0x108;
	s8 =	sld [smem:$0x3FA5]  }
0x2e: {  	s3 =	simm.s32 @!p0 $0x1082;
	s9 =	sld [smem:$0x3FA6]  }
0x2f: {  	lr =	sadd.s32 s0, s3;
	s0 =	sld [smem:$0x3F9D]  }
0x30: {  	s3 =	sld [smem:$0x3FA0]  }
0x31: {  	[smem:$0x3FA9] =	sst s10  }
0x32: {  	s10 =	sld [smem:$0x3FA7];
	_ =	sdelay $0x3  }
0x33: {  	p0 =	seq.s32 s10, $0x1;
	s10 =	sld [smem:$0x3FA9];
	_ =	sdelay $0x3  }
0x34: {  	[smem:$0x3FA9] =	sst s10  }
0x35: {  	s10 =	sld [smem:$0x3FA8];
	_ =	sdelay $0x3  }
0x36: {  	p1 =	seq.s32 s10, $0x1;
	s10 =	sld [smem:$0x3FA9];
	_ =	sdelay $0x3  }
0x37: {  	[smem:$0x3FA9] =	sst s10  }
0x38: {  	s10 =	sld [smem:$0x3FAA]  }
0x39: {  	_ = 	snop;
	(pc) =	sbr.ind lr, $3  }
0x3a: {  	_ = 	snop  }
0x3b: {  	_ = 	snop  }
0x3c: {  	p2 =	seq.s32 s10, $0x1;
	s10 =	sld [smem:$0x3FA9]  }
0x3d: {  	_ =	shalt  }
0x3e: {  	_ =	shalt  }
0x3f: {  	_ =	shalt  }
0x40: {  	_ =	shalt  }
0x41: {  	_ =	shalt  }
0x42: {  	_ =	shalt  }
0x43: {  	_ =	shalt  }
0x44: {  	_ =	shalt  }
0x45: {  	_ =	shalt  }
0x46: {  	_ =	shalt  }
0x47: {  	_ =	shalt  }
0x48: {  	_ =	shalt  }
0x49: {  	_ =	shalt  }
0x4a: {  	_ =	shalt  }
0x4b: {  	_ =	shalt  }
0x4c: {  	_ =	shalt  }
0x4d: {  	_ =	shalt  }
0x4e: {  	_ =	shalt  }
0x4f: {  	_ =	shalt  }
0x50: {  	_ =	shalt  }
0x51: {  	_ =	shalt  }
0x52: {  	_ =	shalt  }
0x53: {  	_ =	shalt  }
0x54: {  	_ =	shalt  }
0x55: {  	_ =	shalt  }
0x56: {  	_ =	shalt  }
0x57: {  	_ =	shalt  }
0x58: {  	_ =	shalt  }
0x59: {  	_ =	shalt  }
0x5a: {  	_ =	shalt  }
0x5b: {  	_ =	shalt  }
0x5c: {  	_ =	shalt  }
0x5d: {  	_ =	shalt  }
0x5e: {  	_ =	shalt  }
0x5f: {  	_ =	shalt  }
0x60: {  	_ =	shalt  }
0x61: {  	_ =	shalt  }
0x62: {  	_ =	shalt  }
0x63: {  	_ =	shalt  }
0x64: {  	_ =	shalt  }
0x65: {  	_ =	shalt  }
0x66: {  	_ =	shalt  }
0x67: {  	_ =	shalt  }
0x68: {  	_ =	shalt  }
0x69: {  	_ =	shalt  }
0x6a: {  	_ =	shalt  }
0x6b: {  	_ =	shalt  }
0x6c: {  	_ =	shalt  }
0x6d: {  	_ =	shalt  }
0x6e: {  	_ =	shalt  }
0x6f: {  	_ =	shalt  }
0x70: {  	_ =	shalt  }
0x71: {  	_ =	shalt  }
0x72: {  	_ =	shalt  }
0x73: {  	_ =	shalt  }
0x74: {  	_ =	shalt  }
0x75: {  	_ =	shalt  }
0x76: {  	_ =	shalt  }
0x77: {  	_ =	shalt  }
0x78: {  	_ =	shalt  }
0x79: {  	_ =	shalt  }
0x7a: {  	_ =	shalt  }
0x7b: {  	_ =	shalt  }
0x7c: {  	_ =	shalt  }
0x7d: {  	_ =	shalt  }
0x7e: {  	_ =	shalt  }
0x7f: {  	_ =	shalt  }
0x80: {  	_ =	shalt  }
0x81: {  	_ =	shalt  }
0x82: {  	_ =	shalt  }
0x83: {  	_ =	shalt  }
0x84: {  	_ =	shalt  }
0x85: {  	_ =	shalt  }
0x86: {  	_ =	shalt  }
0x87: {  	_ =	shalt  }
.Lfunc_end0:
.L_simem_size_0:
called_computation.1_lowered:
.L_overlay_start_0:
0x88: {  	s2 =	sld [smem:$0x3FD9]  }
0x89: {  	s3 =	sld [smem:$0x3FFE];
	_ =	sdelay $0x1  }
0x8a: {  	s1 =	srdreg.scid  }
0x8b: {  	s0 =	sand.u32 $0x1, s1  }
0x8c: {  	s17 =	sshll.u32 s0, $0xA;
	s2 =	sadd.s32 s3, s2  }
0x8d: {  	s2 =	sadd.s32 s2, s17  }
0x8e: {  	[smem:$0x3FB5] =	sst s2  }
0x8f: {  	_ = 	snop  }
0x90: {  	s18 =	sld [smem:$0x3FC7];
	(tm) =	ssettm $0x1  }
0x91: {  	s19 =	sld [smem:$0x3FFB];
	_ =	sdelay $0x3  }
0x92: {  	_ =	strace s19  }
0x93: {  	s2 =	sld [smem:$0x3FFC];
	_ =	sdelay $0x3  }
0x94: {  	_ =	strace s2  }
0x95: {  	s2 =	sld [smem:$0x3FFD];
	_ =	sdelay $0x3  }
0x96: {  	_ =	strace s2  }
0x97: {  	_ =	strace $0x8FFFFFFF  }
0x98: {  	s20 =	sld [smem:$0x3FDB];
	_ =	sdelay $0x1  }
0x99: {  	s4 =	simm.s32 $_scs_section_size  }
0x9a: {  	s5 =	simm.s32 $_size__tile_overlayer_lowered;
	s6 =	simm.s32 $_tile_overlayer_lowered  }
0x9b: {  	s7 =	simm.s32 $0x1BFF;
	s21 =	sshll.u32 s6, $0x1;
	s4 =	sadd.s32 s4, s20  }
0x9c: {  	s22 =	simm.s32 $0x0;
	s5 =	sshll.u32 s5, $0x1;
	s6 =	sadd.s32 s21, s4  }
0x9d: {  	[timem:s22], [sflag:s7] =	dma.local [hbm:s6], s5  }
0x9e: {  	_ =	swait.ge [sflag:s7], s5  }
0x9f: {  	s5 =	ssub.s32 $0x0, s5;
	[sflag:s7] =	ssyncset.done $0x0  }
0xa0: {  	[sflag:s7] =	ssyncadd.s32 s5;
	_ =	sdelay $0x1  }
0xa1: {  	s23 =	simm.s32 $0x1B8B  }
0xa2: {  	_ =	swait.ge [sflag:s23], $0x1  }
0xa3: {  	[sflag:s23] =	ssyncset.done $0x0  }
0xa4: {  	[sflag:s23] =	ssyncadd.s32 $0xFFFFFFFF  }
0xa5: {  	s5 =	sld [smem:$0x0]  }
0xa6: {  	s6 =	sand.u32 $0xFFFFFFFE, s1  }
0xa7: {  	p0 =	sne.s32 s1, s6  }
0xa8: {  	s6 =	sshll.u32 @p0 s6, $0xE  }
0xa9: {  	s6 =	sadd.s32 @p0 $0x11B8D, s6;
	s7 =	sshll.u32 @p0 s5, $0x11  }
0xaa: {  	s6 =	sor.u32 @p0 s7, s6  }
0xab: {  	[sflag:s6] =	ssyncadd.remote.s32 @p0 $0x1;
	_ =	sdelay $0x1  }
0xac: {  	s6 =	simm.s32 @p0 $0x1B8D  }
0xad: {  	_ =	swait.eq @p0 [sflag:s6], $0x1  }
0xae: {  	[sflag:s6] =	ssyncadd.s32 @p0 $0xFFFFFFFF  }
0xaf: {  	s7 =	sshll.u32 @!p0 s1, $0xE  }
0xb0: {  	s7 =	sor.u32 @!p0 $0x4000, s7;
	s6 =	simm.s32 @!p0 $0x1B8D  }
0xb1: {  	s5 =	sshll.u32 @!p0 s5, $0x11;
	s7 =	sadd.s32 @!p0 $0x11B8D, s7;
	_ =	swait.eq @!p0 [sflag:s6], $0x1  }
0xb2: {  	s5 =	sor.u32 @!p0 s5, s7;
	[sflag:s6] =	ssyncadd.s32 @!p0 $0xFFFFFFFF  }
0xb3: {  	s25 =	simm.s32 $0x1B8E;
	s24 =	sld [smem:$0x3FFE];
	[sflag:s5] =	ssyncadd.remote.s32 @!p0 $0x1  }
0xb4: {  	s26 =	simm.s32 $execute0_lowered;
	[smem:$0x3FD2] =	sst s25  }
0xb5: {  	s6 =	sshll.u32 s26, $0x1;
	_ =	strace $0x80000049;
	[dreg:$0x1] =	wrdreg $0xFFFFFFFF  }
0xb6: {  	s28 =	simm.s32 $_size_execute0_lowered;
	s4 =	sadd.s32 s4, s6;
	[dreg:$0x0] =	wrdreg $0x0  }
0xb7: {  	s6 =	sshll.u32 s28, $0x1;
	[dreg:$0x2] =	wrdreg s4  }
0xb8: {  	[dreg:$0x3] =	wrdreg s6  }
0xb9: {  	[dreg:$0x4] =	wrdreg $0xC0  }
0xba: {  	_ =	task [dreg:s22], $0x5FFFF  }
0xbb: {  	[dreg:$0x1] =	wrdreg $0xFFFFFFFF  }
0xbc: {  	[dreg:$0x0] =	wrdreg $0x60  }
0xbd: {  	[dreg:$0x2] =	wrdreg s24  }
0xbe: {  	[dreg:$0x3] =	wrdreg s18  }
0xbf: {  	[dreg:$0x4] =	wrdreg $0xA  }
0xc0: {  	_ =	task.clear_ibuf [dreg:s22], $0x5FFFF;
	_ =	strace $0x90000049  }
0xc1: {  	s29 =	simm.s32 $0xA;
	_ =	strace $0x8000004B  }
0xc2: {  	_ =	swait.ge [sflag:s29], $0x1  }
0xc3: {  	[sflag:s29] =	ssyncadd.s32 $0xFFFFFFFF  }
0xc4: {  	_ =	strace $0x9000004B  }
0xc5: {  	_ =	sfence  }
0xc6: {  	s30 =	sld [smem:$0x0];
	_ =	sdelay $0x2  }
0xc7: {  	s31 =	sshll.u32 s1, $0xD;
	s1 =	sshrl.u32 s1, $0x2  }
0xc8: {  	s4 =	sand.u32 $0x4000, s31;
	s1 =	sadd.s32 s1, s30  }
0xc9: {  	s0 =	sor.u32 s4, s0;
	s1 =	sshll.u32 s1, $0x11  }
0xca: {  	s0 =	sor.u32 s1, s0  }
0xcb: {  	s0 =	sadd.s32 $0x8F2B, s0  }
0xcc: {  	[sflag:s0] =	ssyncadd.remote.s32 $0x1  }
0xcd: {  	_ =	sfence.sel $0xFFFF  }
0xce: {  	[dreg:$0x0] =	wrdreg $0xFFFFFFFF;
	(pc) =	sbr.abs _section_cstart, $3  }
0xcf: {  	[dreg:$0x1] =	wrdreg $0xFFFFFFFF  }
0xd0: {  	_ =	task.clear_ibuf [dreg:s22], $0x2FFFF;
	_ =	strace $0x9FFFFFFF  }
0xd1: {  	(tm) =	ssettm $0x7FFFFFFF  }
tec
execute0_lowered:
.L_overlay_start_1:
0x0: {  	(tag) =	ssettag $0x1  }
0x1: {  	s4 =	rddreg [dreg:$0x0]  }
0x2: {  	s5 =	rddreg [dreg:$0x1]  }
0x3: {  	s0 =	rddreg [dreg:$0x2];
	s2 =	simm.s32 $0x0;
	s1 =	stileid.u32  }
0x4: {  	s6 =	srdreg.scid;
	[smem:$0x7FF] =	sst s2;
	s3 =	sadd.s32 $0x3200, s4  }
0x5: {  	s7 =	sshll.u32 s1, $0xD;
	s8 =	sand.u32 $0x1, s6;
	s28 =	sshll.u32 s1, $0x6  }
0x6: {  	s31 =	sshll.u32 s1, $0x1;
	_ =	strace $0x8000004A;
	s25 =	sadd.s32 s7, s4  }
0x7: {  	s26 =	ssub.s32 $0x2, s8;
	s5 =	sadd.s32 s28, s5;
	s29 =	sshll.u32 s8, $0x5  }
0x8: {  	s30 =	sshll.u32 s8, $0xC;
	s7 =	sor.u32 s8, s31;
	s9 =	sshrl.u32 s26, $0x1  }
0x9: {  	s5 =	sadd.s32 s29, s5;
	s6 =	sadd.s32 s30, s25;
	s4 =	ssub.s32 s26, s9  }
0xa: {  	s5 =	sadd.s32 $0x4E20, s5;
	s6 =	sadd.s32 $0x2C2600, s6;
	s4 =	smax.u32 s4, $0x1  }
.LBB2_1:
0xb: {  	s8 =	sadd.s32 $0x0, s7  }
0xc: {  	p0 =	sgt.u32 s8, $0x270  }
0xd: {  	s8 =	simm.s32 @!p0 $0x0;
	s9 =	simm.s32 @!p0 $0x3  }
0xe: {  	[tilespmem:s8], [sflag:$0x3] =	stream.linear.gather @!p0 [hbm4b:s5+s8], $0x100, $0x38;
	[tilespmem:$0x8100] =	vst v63  }
0xf: {  	_ =	swait.ge @!p0 [sflag:s9], $0x100  }
0x10: {  	[sflag:s9] =	ssyncset.done @!p0 $0x0;
	p0 =	por p0, p0  }
0x11: {  	[sflag:s9] =	ssyncadd.s32 @!p0 $0xFFFFFF00;
	s9 =	simm.s32 @!p0 $0x80;
	s10 =	simm.s32 @!p0 $0x100  }
0x12: {  	[tilespmem:s10], [sflag:$0x1] =	stream.indirect.gather @!p0 [hbm4b:s3+s9], $0x80, s8, s9, $0xb8;
	[tilespmem:$0x8100] =	vst v63  }
0x13: {  	s11 =	simm.s32 @!p0 $0x4100;
	s12 =	simm.s32 @!p0 $0x1  }
0x14: {  	[tilespmem:s11], [sflag:$0x1] =	stream.indirect.gather @!p0 [hbm4b:s3+s9], $0x80, s9, s9, $0xb8;
	[tilespmem:$0x8100] =	vst v63  }
0x15: {  	_ =	swait.ge @!p0 [sflag:s12], $0x4000  }
0x16: {  	[sflag:s12] =	ssyncset.done @!p0 $0x0  }
0x17: {  	[sflag:s12] =	ssyncadd.s32 @!p0 $0xFFFFC000  }
0x18: {  	_ =	swait.ge @!p0 [sflag:s12], $0x4000  }
0x19: {  	[sflag:s12] =	ssyncset.done @!p0 $0x0  }
0x1a: {  	s31 =	sadd.s32 $0x20, s7;
	s11 =	simm.s32 @!p0 $0x2;
	[sflag:s12] =	ssyncadd.s32 @!p0 $0xFFFFC000  }
0x1b: {  	[hbm4b:s6+s8] =	stream.linear.scatter @!p0 [tilespmem:s10], [sflag:$0x2], $0x8000, $0x38;
	[tilespmem:$0x8100] =	vst v63  }
0x1c: {  	p2 =	sgt.u32 s31, $0x270;
	s9 =	simm.s32 $0x40;
	_ =	swait.ge @!p0 [sflag:s11], $0x8000  }
0x1d: {  	s8 =	sadd.s32 $0x20000, s6;
	s10 =	sadd.s32 $0x400, s5;
	[sflag:s11] =	ssyncset.done @!p0 $0x0  }
.LBB2_2:
0x1e: {  	s12 =	simm.s32 @!p2 $0x0;
	s13 =	simm.s32 @!p2 $0x3;
	[sflag:s11] =	ssyncadd.s32 @!p0 $0xFFFF8000  }
0x1f: {  	[tilespmem:s12], [sflag:$0x3] =	stream.linear.gather @!p2 [hbm4b:s10+s12], $0x100, $0x38;
	[tilespmem:$0x8100] =	vst v63  }
0x20: {  	s14 =	smov.u32 s9;
	s9 =	sadd.s32 $0x20, s9;
	_ =	swait.ge @!p2 [sflag:s13], $0x100  }
0x21: {  	p0 =	por p2, p2;
	p1 =	sne.s32 s9, $0x280;
	[sflag:s13] =	ssyncset.done @!p2 $0x0  }
0x22: {  	s11 =	simm.s32 @!p0 $0x80;
	[sflag:s13] =	ssyncadd.s32 @!p0 $0xFFFFFF00;
	s13 =	simm.s32 @!p0 $0x100  }
0x23: {  	[tilespmem:s13], [sflag:$0x1] =	stream.indirect.gather @!p0 [hbm4b:s3+s11], $0x80, s12, s11, $0xb8;
	[tilespmem:$0x8100] =	vst v63  }
0x24: {  	s15 =	simm.s32 @!p0 $0x4100;
	s16 =	simm.s32 @!p0 $0x1  }
0x25: {  	[tilespmem:s15], [sflag:$0x1] =	stream.indirect.gather @!p0 [hbm4b:s3+s11], $0x80, s11, s11, $0xb8;
	[tilespmem:$0x8100] =	vst v63  }
0x26: {  	_ =	swait.ge @!p0 [sflag:s16], $0x4000  }
0x27: {  	[sflag:s16] =	ssyncset.done @!p0 $0x0  }
0x28: {  	[sflag:s16] =	ssyncadd.s32 @!p0 $0xFFFFC000  }
0x29: {  	_ =	swait.ge @!p0 [sflag:s16], $0x4000  }
.Ltmp0:
0x2a: {  	[sflag:s16] =	ssyncset.done @!p0 $0x0;
	(pc) =	sbr.rel @p1 .LBB2_2-.Ltmp0, $4  }
0x2b: {  	s11 =	simm.s32 @!p0 $0x2;
	[sflag:s16] =	ssyncadd.s32 @!p0 $0xFFFFC000  }
0x2c: {  	[hbm4b:s8+s12] =	stream.linear.scatter @!p0 [tilespmem:s13], [sflag:$0x2], $0x8000, $0x38;
	[tilespmem:$0x8100] =	vst v63  }
0x2d: {  	s12 =	sadd.s32 s14, s7;
	s8 =	sadd.s32 $0x20000, s8;
	_ =	swait.ge @!p0 [sflag:s11], $0x8000  }
0x2e: {  	s10 =	sadd.s32 $0x400, s10;
	p2 =	sgt.u32 s12, $0x270;
	[sflag:s11] =	ssyncset.done @!p0 $0x0  }
0x2f: {  	s9 =	simm.s32 @!p2 $0x0;
	s12 =	simm.s32 @!p2 $0x3;
	[sflag:s11] =	ssyncadd.s32 @!p0 $0xFFFF8000  }
0x30: {  	[tilespmem:s9], [sflag:$0x3] =	stream.linear.gather @!p2 [hbm4b:s10+s9], $0x100, $0x38;
	[tilespmem:$0x8100] =	vst v63  }
0x31: {  	_ =	swait.ge @!p2 [sflag:s12], $0x100  }
0x32: {  	p0 =	por p2, p2;
	[sflag:s12] =	ssyncset.done @!p2 $0x0  }
0x33: {  	s10 =	simm.s32 @!p0 $0x80;
	s11 =	simm.s32 @!p0 $0x100;
	[sflag:s12] =	ssyncadd.s32 @!p0 $0xFFFFFF00  }
0x34: {  	[tilespmem:s11], [sflag:$0x1] =	stream.indirect.gather @!p0 [hbm4b:s3+s10], $0x80, s9, s10, $0xb8;
	[tilespmem:$0x8100] =	vst v63  }
0x35: {  	s13 =	simm.s32 @!p0 $0x1;
	s12 =	simm.s32 @!p0 $0x4100  }
0x36: {  	[tilespmem:s12], [sflag:$0x1] =	stream.indirect.gather @!p0 [hbm4b:s3+s10], $0x80, s10, s10, $0xb8;
	[tilespmem:$0x8100] =	vst v63  }
0x37: {  	_ =	swait.ge @!p0 [sflag:s13], $0x4000  }
0x38: {  	[sflag:s13] =	ssyncset.done @!p0 $0x0  }
0x39: {  	[sflag:s13] =	ssyncadd.s32 @!p0 $0xFFFFC000  }
0x3a: {  	s2 =	sadd.s32 $0x1, s2;
	_ =	swait.ge @!p0 [sflag:s13], $0x4000  }
0x3b: {  	p1 =	sne.s32 s2, s4;
	[sflag:s13] =	ssyncset.done @!p0 $0x0  }
.Ltmp1:
0x3c: {  	s10 =	simm.s32 @!p0 $0x2;
	[sflag:s13] =	ssyncadd.s32 @!p0 $0xFFFFC000;
	(pc) =	sbr.rel @p1 .LBB2_1-.Ltmp1, $4  }
0x3d: {  	[hbm4b:s8+s9] =	stream.linear.scatter @!p0 [tilespmem:s11], [sflag:$0x2], $0x8000, $0x38;
	[tilespmem:$0x8100] =	vst v63  }
0x3e: {  	_ =	swait.ge @!p0 [sflag:s10], $0x8000  }
0x3f: {  	[sflag:s10] =	ssyncset.done @!p0 $0x0  }
0x40: {  	[sflag:s10] =	ssyncadd.s32 @!p0 $0xFFFF8000  }
0x41: {  	_ =	sfence.sel $0x180000  }
0x42: {  	[bflag:$0x0] =	sbarrier.arrive $0xFFFF  }
0x43: {  	p0 =	sne.s32 s1, $0x0;
	_ =	strace $0x9000004A  }
0x44: {  	s0 =	sadd.s32 @!p0 $0x100000, s0;
	[bflag:$0x2] =	sbarrier.arrive $0xFFFF  }
0x45: {  	[sflag:s0] =	ssyncadd.tile.s32 @!p0 $0x1;
	_ =	shalt  }
.Lfunc_end2:
_tile_overlayer_lowered:
.L_overlay_start_2:
0x46: {  	(tag) =	ssettag $0x2  }
0x47: {  	s0 =	rddreg [dreg:$0x0];
	s2 =	stileid.u32  }
0x48: {  	s1 =	rddreg [dreg:$0x1];
	p0 =	sne.s32 s2, $0x0  }
0x49: {  	s3 =	rddreg [dreg:$0x2];
	[bflag:$0x3] =	sbarrier.arrive $0xFFFF;
	s2 =	simm.s32 @!p0 $0x1C02  }
0x4a: {  	[timem:s3], [sflag:s2] =	dma.local @!p0 [hbm:s0], s1  }
0x4b: {  	s0 =	simm.s32 @!p0 $0x2  }
0x4c: {  	_ =	swait.ge @!p0 [sflag:s0], s1  }
0x4d: {  	s1 =	ssub.s32 @!p0 $0x0, s1;
	[sflag:s0] =	ssyncset.done @!p0 $0x0  }
0x4e: {  	[sflag:s0] =	ssyncadd.s32 @!p0 s1  }
0x4f: {  	[bflag:$0x3] =	sbarrier.arrive $0xFFFF  }
0x50: {  	_ =	shalt  }

// kernel: kernel.7.cloned.1.call-start
scs
__scs_entry_jumppad:
0x0: {  	(pc) =	sbr.rel $0x88, $3  }
0x1: {  	(tag) =	ssettag $0x0;
	lr =	simm.s32 $0x1  }
0x2: {  	[smem:$0x3F8E] =	sst lr;
	_ =	strace $0xD0000000  }
0x3: {  	_ = 	snop  }
0x4: {  	_ = 	snop  }
0x5: {  	_ = 	snop  }
0x6: {  	_ = 	snop  }
0x7: {  	_ = 	snop  }
__scs_overlays_trampoline_lowered:
0x8: {  	[smem:$0x3F9D] =	sst s0  }
0x9: {  	[smem:$0x3F9E] =	sst s1  }
0xa: {  	[smem:$0x3F9F] =	sst s2  }
0xb: {  	[smem:$0x3FA0] =	sst s3  }
0xc: {  	[smem:$0x3FA1] =	sst s4  }
0xd: {  	[smem:$0x3FA2] =	sst s5  }
0xe: {  	[smem:$0x3FA3] =	sst s6  }
0xf: {  	[smem:$0x3FA4] =	sst s7  }
0x10: {  	[smem:$0x3FA5] =	sst s8  }
0x11: {  	[smem:$0x3FA6] =	sst s9;
	s0 =	simm.s32 @!p0 $0x0  }
0x12: {  	s1 =	sld [smem:$0x3F8C];
	s0 =	simm.s32 @p0 $0x1  }
0x13: {  	[smem:$0x3FA7] =	sst s0;
	s0 =	simm.s32 @!p1 $0x0  }
0x14: {  	s2 =	sld [smem:$0x3F8B];
	s0 =	simm.s32 @p1 $0x1  }
0x15: {  	[smem:$0x3FA8] =	sst s0;
	s0 =	simm.s32 @!p2 $0x0  }
0x16: {  	s3 =	sld [smem:$0x3FDB];
	s0 =	simm.s32 @p2 $0x1  }
0x17: {  	s4 =	simm.s32 $0x1BF5;
	[smem:$0x3FAA] =	sst s0  }
0x18: {  	s0 =	sld [smem:$0x3F8D];
	_ =	swait.ge [sflag:s4], $0x0  }
0x19: {  	s7 =	sld [smem:$0x3F8E]  }
0x1a: {  	s8 =	sadd.s32 $0xFFFFE003, lr  }
0x1b: {  	s9 =	sadd.s32 $0xFFFFFEF7, lr;
	s5 =	simm.s32 $0xFFFFFFFF;
	p2 =	slt.u32 s8, $0xFFFFF086  }
0x1c: {  	p1 =	slt.u32 s9, $0xF7A;
	s5 =	simm.s32 @!p2 $0x0  }
0x1d: {  	s5 =	simm.s32 @p1 $0x1;
	p0 =	seq.s32 s7, s2  }
0x1e: {  	s7 =	smul.u32 @!p0 $0xF7A, s2;
	p2 =	seq.s32 @!p0 s5, $0x0  }
0x1f: {  	s9 =	smul.u32 $0xF7A, s1;
	s8 =	simm.s32 @!p0 $0x1BF5;
	p2 =	por !p2, p0  }
0x20: {  	[sflag:s8] =	ssyncset.s32 @!p0 $0xFFFFF086;
	s6 =	sadd.s32 @!p0 s3, s7;
	s7 =	simm.s32 @!p0 $0x108  }
0x21: {  	s3 =	sadd.s32 s3, s9;
	s6 =	sadd.s32 @!p0 $0x88, s6;
	s7 =	simm.s32 @p2 $0x1082  }
0x22: {  	[simem:s7], [sflag:s8] =	dma.local @!p0 [hbm:s6], $0xF7A  }
0x23: {  	s9 =	sor.u32 $0xD0000000, s2;
	s6 =	simm.s32 $0x108;
	_ =	swait.ge @!p0 [sflag:s8], $0x0  }
0x24: {  	s3 =	sadd.s32 $0x88, s3;
	s6 =	simm.s32 @!p1 $0x1082;
	[sflag:s4] =	ssyncset.s32 $0xFFFFF086  }
0x25: {  	[simem:s6], [sflag:s4] =	dma.local [hbm:s3], $0xF7A  }
0x26: {  	[smem:$0x3F8E] =	sst s1;
	(tag) =	ssettag s2;
	_ =	strace s9  }
0x27: {  	s1 =	sld [smem:$0x3F9E]  }
0x28: {  	s2 =	sld [smem:$0x3F9F]  }
0x29: {  	s4 =	sld [smem:$0x3FA1]  }
0x2a: {  	p0 =	seq.s32 s5, $0x0;
	s5 =	sld [smem:$0x3FA2]  }
0x2b: {  	s6 =	sld [smem:$0x3FA3]  }
0x2c: {  	s7 =	sld [smem:$0x3FA4]  }
0x2d: {  	s3 =	simm.s32 $0x108;
	s8 =	sld [smem:$0x3FA5]  }
0x2e: {  	s3 =	simm.s32 @!p0 $0x1082;
	s9 =	sld [smem:$0x3FA6]  }
0x2f: {  	lr =	sadd.s32 s0, s3;
	s0 =	sld [smem:$0x3F9D]  }
0x30: {  	s3 =	sld [smem:$0x3FA0]  }
0x31: {  	[smem:$0x3FA9] =	sst s10  }
0x32: {  	s10 =	sld [smem:$0x3FA7];
	_ =	sdelay $0x3  }
0x33: {  	p0 =	seq.s32 s10, $0x1;
	s10 =	sld [smem:$0x3FA9];
	_ =	sdelay $0x3  }
0x34: {  	[smem:$0x3FA9] =	sst s10  }
0x35: {  	s10 =	sld [smem:$0x3FA8];
	_ =	sdelay $0x3  }
0x36: {  	p1 =	seq.s32 s10, $0x1;
	s10 =	sld [smem:$0x3FA9];
	_ =	sdelay $0x3  }
0x37: {  	[smem:$0x3FA9] =	sst s10  }
0x38: {  	s10 =	sld [smem:$0x3FAA]  }
0x39: {  	_ = 	snop;
	(pc) =	sbr.ind lr, $3  }
0x3a: {  	_ = 	snop  }
0x3b: {  	_ = 	snop  }
0x3c: {  	p2 =	seq.s32 s10, $0x1;
	s10 =	sld [smem:$0x3FA9]  }
0x3d: {  	_ =	shalt  }
0x3e: {  	_ =	shalt  }
0x3f: {  	_ =	shalt  }
0x40: {  	_ =	shalt  }
0x41: {  	_ =	shalt  }
0x42: {  	_ =	shalt  }
0x43: {  	_ =	shalt  }
0x44: {  	_ =	shalt  }
0x45: {  	_ =	shalt  }
0x46: {  	_ =	shalt  }
0x47: {  	_ =	shalt  }
0x48: {  	_ =	shalt  }
0x49: {  	_ =	shalt  }
0x4a: {  	_ =	shalt  }
0x4b: {  	_ =	shalt  }
0x4c: {  	_ =	shalt  }
0x4d: {  	_ =	shalt  }
0x4e: {  	_ =	shalt  }
0x4f: {  	_ =	shalt  }
0x50: {  	_ =	shalt  }
0x51: {  	_ =	shalt  }
0x52: {  	_ =	shalt  }
0x53: {  	_ =	shalt  }
0x54: {  	_ =	shalt  }
0x55: {  	_ =	shalt  }
0x56: {  	_ =	shalt  }
0x57: {  	_ =	shalt  }
0x58: {  	_ =	shalt  }
0x59: {  	_ =	shalt  }
0x5a: {  	_ =	shalt  }
0x5b: {  	_ =	shalt  }
0x5c: {  	_ =	shalt  }
0x5d: {  	_ =	shalt  }
0x5e: {  	_ =	shalt  }
0x5f: {  	_ =	shalt  }
0x60: {  	_ =	shalt  }
0x61: {  	_ =	shalt  }
0x62: {  	_ =	shalt  }
0x63: {  	_ =	shalt  }
0x64: {  	_ =	shalt  }
0x65: {  	_ =	shalt  }
0x66: {  	_ =	shalt  }
0x67: {  	_ =	shalt  }
0x68: {  	_ =	shalt  }
0x69: {  	_ =	shalt  }
0x6a: {  	_ =	shalt  }
0x6b: {  	_ =	shalt  }
0x6c: {  	_ =	shalt  }
0x6d: {  	_ =	shalt  }
0x6e: {  	_ =	shalt  }
0x6f: {  	_ =	shalt  }
0x70: {  	_ =	shalt  }
0x71: {  	_ =	shalt  }
0x72: {  	_ =	shalt  }
0x73: {  	_ =	shalt  }
0x74: {  	_ =	shalt  }
0x75: {  	_ =	shalt  }
0x76: {  	_ =	shalt  }
0x77: {  	_ =	shalt  }
0x78: {  	_ =	shalt  }
0x79: {  	_ =	shalt  }
0x7a: {  	_ =	shalt  }
0x7b: {  	_ =	shalt  }
0x7c: {  	_ =	shalt  }
0x7d: {  	_ =	shalt  }
0x7e: {  	_ =	shalt  }
0x7f: {  	_ =	shalt  }
0x80: {  	_ =	shalt  }
0x81: {  	_ =	shalt  }
0x82: {  	_ =	shalt  }
0x83: {  	_ =	shalt  }
0x84: {  	_ =	shalt  }
0x85: {  	_ =	shalt  }
0x86: {  	_ =	shalt  }
0x87: {  	_ =	shalt  }
.Lfunc_end0:
.L_simem_size_0:
called_computation_lowered:
.L_overlay_start_0:
0x88: {  	s2 =	sld [smem:$0x3FD9]  }
0x89: {  	s3 =	sld [smem:$0x3FFE];
	_ =	sdelay $0x1  }
0x8a: {  	s1 =	srdreg.scid  }
0x8b: {  	s0 =	sand.u32 $0x1, s1  }
0x8c: {  	s17 =	sshll.u32 s0, $0xA;
	s2 =	sadd.s32 s3, s2  }
0x8d: {  	s2 =	sadd.s32 s2, s17  }
0x8e: {  	[smem:$0x3FB5] =	sst s2  }
0x8f: {  	_ = 	snop  }
0x90: {  	s2 =	sld [smem:$0x3FC7];
	(tm) =	ssettm $0x1  }
0x91: {  	s18 =	sld [smem:$0x3FFB];
	_ =	sdelay $0x3  }
0x92: {  	_ =	strace s18  }
0x93: {  	s3 =	sld [smem:$0x3FFC];
	_ =	sdelay $0x3  }
0x94: {  	_ =	strace s3  }
0x95: {  	s3 =	sld [smem:$0x3FFD];
	_ =	sdelay $0x3  }
0x96: {  	_ =	strace s3  }
0x97: {  	_ =	strace $0x8FFFFFFF  }
0x98: {  	s19 =	sld [smem:$0x3FDB];
	_ =	sdelay $0x1  }
0x99: {  	s4 =	simm.s32 $_scs_section_size  }
0x9a: {  	s5 =	simm.s32 $_size__tile_overlayer_lowered;
	s6 =	simm.s32 $_tile_overlayer_lowered  }
0x9b: {  	s22 =	simm.s32 $0x1BFF;
	s21 =	sshll.u32 s6, $0x1;
	s3 =	sadd.s32 s4, s19  }
0x9c: {  	s7 =	simm.s32 $0x0;
	s20 =	sshll.u32 s5, $0x1;
	s5 =	sadd.s32 s21, s3  }
0x9d: {  	[timem:s7], [sflag:s22] =	dma.local [hbm:s5], s20  }
0x9e: {  	_ =	swait.ge [sflag:s22], s20  }
0x9f: {  	s4 =	ssub.s32 $0x0, s20;
	[sflag:s22] =	ssyncset.done $0x0  }
0xa0: {  	[sflag:s22] =	ssyncadd.s32 s4;
	_ =	sdelay $0x1  }
0xa1: {  	s23 =	simm.s32 $0x1B8B  }
0xa2: {  	_ =	swait.ge [sflag:s23], $0x1  }
0xa3: {  	[sflag:s23] =	ssyncset.done $0x0  }
0xa4: {  	s25 =	simm.s32 $0x1B8E;
	s24 =	sld [smem:$0x3FFE];
	[sflag:s23] =	ssyncadd.s32 $0xFFFFFFFF  }
0xa5: {  	s26 =	simm.s32 $execute0_lowered;
	[smem:$0x3FD2] =	sst s25  }
0xa6: {  	s5 =	sshll.u32 s26, $0x1;
	_ =	strace $0x80000046;
	[dreg:$0x1] =	wrdreg $0xFFFFFFFF  }
0xa7: {  	s28 =	simm.s32 $_size_execute0_lowered;
	s3 =	sadd.s32 s3, s5;
	[dreg:$0x0] =	wrdreg $0x0  }
0xa8: {  	s5 =	sshll.u32 s28, $0x1;
	[dreg:$0x2] =	wrdreg s3  }
0xa9: {  	[dreg:$0x3] =	wrdreg s5  }
0xaa: {  	[dreg:$0x4] =	wrdreg $0xC0  }
0xab: {  	_ =	task [dreg:s7], $0x5FFFF  }
0xac: {  	[dreg:$0x1] =	wrdreg $0xFFFFFFFF  }
0xad: {  	[dreg:$0x0] =	wrdreg $0x60  }
0xae: {  	[dreg:$0x2] =	wrdreg s24  }
0xaf: {  	[dreg:$0x3] =	wrdreg s2  }
0xb0: {  	[dreg:$0x4] =	wrdreg $0x9  }
0xb1: {  	_ =	task.clear_ibuf [dreg:s7], $0x5FFFF;
	_ =	strace $0x90000046  }
0xb2: {  	s29 =	simm.s32 $0x9;
	_ =	strace $0x80000048  }
0xb3: {  	_ =	swait.ge [sflag:s29], $0x1  }
0xb4: {  	[sflag:s29] =	ssyncadd.s32 $0xFFFFFFFF  }
0xb5: {  	_ =	strace $0x90000048  }
0xb6: {  	_ =	sfence  }
0xb7: {  	s30 =	sld [smem:$0x0];
	_ =	sdelay $0x2  }
0xb8: {  	s31 =	sshll.u32 s1, $0xD;
	s1 =	sshrl.u32 s1, $0x2  }
0xb9: {  	s3 =	sand.u32 $0x4000, s31;
	s1 =	sadd.s32 s1, s30  }
0xba: {  	s0 =	sor.u32 s3, s0;
	s1 =	sshll.u32 s1, $0x11  }
0xbb: {  	s0 =	sor.u32 s1, s0  }
0xbc: {  	s0 =	sadd.s32 $0x8F2B, s0  }
0xbd: {  	[sflag:s0] =	ssyncadd.remote.s32 $0x1  }
0xbe: {  	_ =	sfence.sel $0xFFFF  }
0xbf: {  	[dreg:$0x0] =	wrdreg $0xFFFFFFFF;
	(pc) =	sbr.abs _section_cstart, $3  }
0xc0: {  	[dreg:$0x1] =	wrdreg $0xFFFFFFFF  }
0xc1: {  	_ =	task.clear_ibuf [dreg:s7], $0x2FFFF;
	_ =	strace $0x9FFFFFFF  }
0xc2: {  	(tm) =	ssettm $0x7FFFFFFF  }
0xc3: {  	_ =	shalt  }
tec
execute0_lowered:
.L_overlay_start_1:
0x0: {  	(tag) =	ssettag $0x1  }
0x1: {  	s4 =	rddreg [dreg:$0x0]  }
0x2: {  	s5 =	rddreg [dreg:$0x1]  }
0x3: {  	s0 =	rddreg [dreg:$0x2];
	s1 =	simm.s32 $0x0;
	s2 =	srdreg.scid  }
0x4: {  	[smem:$0x7FF] =	sst s1;
	s7 =	sand.u32 $0x1, s2  }
0x5: {  	s2 =	stileid.u32;
	s3 =	sadd.s32 $0x3200, s4;
	_ =	strace $0x80000047  }
0x6: {  	s6 =	ssub.s32 $0x2, s7;
	s8 =	sshll.u32 s2, $0xD;
	s28 =	sshll.u32 s2, $0x6  }
0x7: {  	s29 =	sshll.u32 s2, $0x1;
	s30 =	sshll.u32 s7, $0xC;
	s31 =	sshll.u32 s7, $0x5  }
0x8: {  	s9 =	sshrl.u32 s6, $0x1;
	s8 =	sadd.s32 s8, s4;
	s5 =	sadd.s32 s28, s5  }
0x9: {  	s7 =	sor.u32 s7, s29;
	s26 =	ssub.s32 s6, s9;
	s6 =	sadd.s32 s30, s8  }
0xa: {  	s5 =	sadd.s32 s31, s5;
	s4 =	smax.u32 s26, $0x1;
	s6 =	sadd.s32 $0x51600, s6  }
.LBB2_1:
0xb: {  	s8 =	sadd.s32 $0x0, s7  }
0xc: {  	p0 =	sgt.u32 s8, $0x270  }
0xd: {  	s8 =	simm.s32 @!p0 $0x0;
	s9 =	simm.s32 @!p0 $0x3  }
0xe: {  	[tilespmem:s8], [sflag:$0x3] =	stream.linear.gather @!p0 [hbm4b:s5+s8], $0x100, $0x38;
	[tilespmem:$0x8100] =	vst v63  }
0xf: {  	_ =	swait.ge @!p0 [sflag:s9], $0x100  }
0x10: {  	[sflag:s9] =	ssyncset.done @!p0 $0x0;
	p0 =	por p0, p0  }
0x11: {  	[sflag:s9] =	ssyncadd.s32 @!p0 $0xFFFFFF00;
	s9 =	simm.s32 @!p0 $0x80;
	s10 =	simm.s32 @!p0 $0x100  }
0x12: {  	[tilespmem:s10], [sflag:$0x1] =	stream.indirect.gather @!p0 [hbm4b:s3+s9], $0x80, s8, s9, $0xb8;
	[tilespmem:$0x8100] =	vst v63  }
0x13: {  	s11 =	simm.s32 @!p0 $0x4100;
	s12 =	simm.s32 @!p0 $0x1  }
0x14: {  	[tilespmem:s11], [sflag:$0x1] =	stream.indirect.gather @!p0 [hbm4b:s3+s9], $0x80, s9, s9, $0xb8;
	[tilespmem:$0x8100] =	vst v63  }
0x15: {  	_ =	swait.ge @!p0 [sflag:s12], $0x4000  }
0x16: {  	[sflag:s12] =	ssyncset.done @!p0 $0x0  }
0x17: {  	[sflag:s12] =	ssyncadd.s32 @!p0 $0xFFFFC000  }
0x18: {  	_ =	swait.ge @!p0 [sflag:s12], $0x4000  }
0x19: {  	[sflag:s12] =	ssyncset.done @!p0 $0x0  }
0x1a: {  	s31 =	sadd.s32 $0x20, s7;
	s11 =	simm.s32 @!p0 $0x2;
	[sflag:s12] =	ssyncadd.s32 @!p0 $0xFFFFC000  }
0x1b: {  	[hbm4b:s6+s8] =	stream.linear.scatter @!p0 [tilespmem:s10], [sflag:$0x2], $0x8000, $0x38;
	[tilespmem:$0x8100] =	vst v63  }
0x1c: {  	p2 =	sgt.u32 s31, $0x270;
	s9 =	simm.s32 $0x40;
	_ =	swait.ge @!p0 [sflag:s11], $0x8000  }
0x1d: {  	s8 =	sadd.s32 $0x20000, s6;
	s10 =	sadd.s32 $0x400, s5;
	[sflag:s11] =	ssyncset.done @!p0 $0x0  }
.LBB2_2:
0x1e: {  	s12 =	simm.s32 @!p2 $0x0;
	s13 =	simm.s32 @!p2 $0x3;
	[sflag:s11] =	ssyncadd.s32 @!p0 $0xFFFF8000  }
0x1f: {  	[tilespmem:s12], [sflag:$0x3] =	stream.linear.gather @!p2 [hbm4b:s10+s12], $0x100, $0x38;
	[tilespmem:$0x8100] =	vst v63  }
0x20: {  	s14 =	smov.u32 s9;
	s9 =	sadd.s32 $0x20, s9;
	_ =	swait.ge @!p2 [sflag:s13], $0x100  }
0x21: {  	p0 =	por p2, p2;
	p1 =	sne.s32 s9, $0x280;
	[sflag:s13] =	ssyncset.done @!p2 $0x0  }
0x22: {  	s11 =	simm.s32 @!p0 $0x80;
	[sflag:s13] =	ssyncadd.s32 @!p0 $0xFFFFFF00;
	s13 =	simm.s32 @!p0 $0x100  }
0x23: {  	[tilespmem:s13], [sflag:$0x1] =	stream.indirect.gather @!p0 [hbm4b:s3+s11], $0x80, s12, s11, $0xb8;
	[tilespmem:$0x8100] =	vst v63  }
0x24: {  	s15 =	simm.s32 @!p0 $0x4100;
	s16 =	simm.s32 @!p0 $0x1  }
0x25: {  	[tilespmem:s15], [sflag:$0x1] =	stream.indirect.gather @!p0 [hbm4b:s3+s11], $0x80, s11, s11, $0xb8;
	[tilespmem:$0x8100] =	vst v63  }
0x26: {  	_ =	swait.ge @!p0 [sflag:s16], $0x4000  }
0x27: {  	[sflag:s16] =	ssyncset.done @!p0 $0x0  }
0x28: {  	[sflag:s16] =	ssyncadd.s32 @!p0 $0xFFFFC000  }
0x29: {  	_ =	swait.ge @!p0 [sflag:s16], $0x4000  }
.Ltmp0:
0x2a: {  	[sflag:s16] =	ssyncset.done @!p0 $0x0;
	(pc) =	sbr.rel @p1 .LBB2_2-.Ltmp0, $4  }
0x2b: {  	s11 =	simm.s32 @!p0 $0x2;
	[sflag:s16] =	ssyncadd.s32 @!p0 $0xFFFFC000  }
0x2c: {  	[hbm4b:s8+s12] =	stream.linear.scatter @!p0 [tilespmem:s13], [sflag:$0x2], $0x8000, $0x38;
	[tilespmem:$0x8100] =	vst v63  }
0x2d: {  	s12 =	sadd.s32 s14, s7;
	s8 =	sadd.s32 $0x20000, s8;
	_ =	swait.ge @!p0 [sflag:s11], $0x8000  }
0x2e: {  	s10 =	sadd.s32 $0x400, s10;
	p2 =	sgt.u32 s12, $0x270;
	[sflag:s11] =	ssyncset.done @!p0 $0x0  }
0x2f: {  	s9 =	simm.s32 @!p2 $0x0;
	s12 =	simm.s32 @!p2 $0x3;
	[sflag:s11] =	ssyncadd.s32 @!p0 $0xFFFF8000  }
0x30: {  	[tilespmem:s9], [sflag:$0x3] =	stream.linear.gather @!p2 [hbm4b:s10+s9], $0x100, $0x38;
	[tilespmem:$0x8100] =	vst v63  }
0x31: {  	_ =	swait.ge @!p2 [sflag:s12], $0x100  }
0x32: {  	p0 =	por p2, p2;
	[sflag:s12] =	ssyncset.done @!p2 $0x0  }
0x33: {  	s10 =	simm.s32 @!p0 $0x80;
	s11 =	simm.s32 @!p0 $0x100;
	[sflag:s12] =	ssyncadd.s32 @!p0 $0xFFFFFF00  }
0x34: {  	[tilespmem:s11], [sflag:$0x1] =	stream.indirect.gather @!p0 [hbm4b:s3+s10], $0x80, s9, s10, $0xb8;
	[tilespmem:$0x8100] =	vst v63  }
0x35: {  	s13 =	simm.s32 @!p0 $0x1;
	s12 =	simm.s32 @!p0 $0x4100  }
0x36: {  	[tilespmem:s12], [sflag:$0x1] =	stream.indirect.gather @!p0 [hbm4b:s3+s10], $0x80, s10, s10, $0xb8;
	[tilespmem:$0x8100] =	vst v63  }
0x37: {  	_ =	swait.ge @!p0 [sflag:s13], $0x4000  }
0x38: {  	[sflag:s13] =	ssyncset.done @!p0 $0x0  }
0x39: {  	[sflag:s13] =	ssyncadd.s32 @!p0 $0xFFFFC000  }
0x3a: {  	s1 =	sadd.s32 $0x1, s1;
	_ =	swait.ge @!p0 [sflag:s13], $0x4000  }
0x3b: {  	p1 =	sne.s32 s1, s4;
	[sflag:s13] =	ssyncset.done @!p0 $0x0  }
.Ltmp1:
0x3c: {  	s10 =	simm.s32 @!p0 $0x2;
	[sflag:s13] =	ssyncadd.s32 @!p0 $0xFFFFC000;
	(pc) =	sbr.rel @p1 .LBB2_1-.Ltmp1, $4  }
0x3d: {  	[hbm4b:s8+s9] =	stream.linear.scatter @!p0 [tilespmem:s11], [sflag:$0x2], $0x8000, $0x38;
	[tilespmem:$0x8100] =	vst v63  }
0x3e: {  	_ =	swait.ge @!p0 [sflag:s10], $0x8000  }
0x3f: {  	[sflag:s10] =	ssyncset.done @!p0 $0x0  }
0x40: {  	[sflag:s10] =	ssyncadd.s32 @!p0 $0xFFFF8000  }
0x41: {  	_ =	sfence.sel $0x180000  }
0x42: {  	[bflag:$0x0] =	sbarrier.arrive $0xFFFF  }
0x43: {  	p0 =	sne.s32 s2, $0x0;
	_ =	strace $0x90000047  }
0x44: {  	s0 =	sadd.s32 @!p0 $0x100000, s0;
	[bflag:$0x2] =	sbarrier.arrive $0xFFFF  }
0x45: {  	[sflag:s0] =	ssyncadd.tile.s32 @!p0 $0x1;
	_ =	shalt  }
.Lfunc_end2:
_tile_overlayer_lowered:
.L_overlay_start_2:
0x46: {  	(tag) =	ssettag $0x2  }
0x47: {  	s0 =	rddreg [dreg:$0x0];
	s2 =	stileid.u32  }
0x48: {  	s1 =	rddreg [dreg:$0x1];
	p0 =	sne.s32 s2, $0x0  }
0x49: {  	s3 =	rddreg [dreg:$0x2];
	[bflag:$0x3] =	sbarrier.arrive $0xFFFF;
	s2 =	simm.s32 @!p0 $0x1C02  }
0x4a: {  	[timem:s3], [sflag:s2] =	dma.local @!p0 [hbm:s0], s1  }
0x4b: {  	s0 =	simm.s32 @!p0 $0x2  }
0x4c: {  	_ =	swait.ge @!p0 [sflag:s0], s1  }
0x4d: {  	s1 =	ssub.s32 @!p0 $0x0, s1;
	[sflag:s0] =	ssyncset.done @!p0 $0x0  }
0x4e: {  	[sflag:s0] =	ssyncadd.s32 @!p0 s1  }
0x4f: {  	[bflag:$0x3] =	sbarrier.arrive $0xFFFF  }
0x50: {  	_ =	shalt  }

</sc_bundles>
